<compile_context>
chip_gen: v7x
topology: tpu7x:2x2x1
jax: 0.10.2.dev20260603
libtpu: 0.0.44.dev20260713+nightly
codegen_flags: <defaults>
</compile_context>

<pallas_src>
import functools

import jax
import jax.numpy as jnp
from jax import lax
from jax.experimental import pallas as pl
from jax.experimental.pallas import tpu as pltpu
from jax.experimental.pallas import tpu_sc as plsc

CH = 128
KI = CH // 128
NS = 16
HALF = 64


def _sc_segment_sum(node_hidden, edge_hidden, idx3, z2, z1, ones1):
    N, D = node_hidden.shape
    E = edge_hidden.shape[0]
    NCH = E // CH
    RPT = N // NS

    mesh = plsc.VectorSubcoreMesh(core_axis_name="c", subcore_axis_name="s")

    @functools.partial(
        pl.kernel,
        out_type=[
            jax.ShapeDtypeStruct((N, D), jnp.float32),
            jax.ShapeDtypeStruct((2, N), jnp.float32),
        ],
        mesh=mesh,
        scratch_types=[
            pltpu.VMEM_SHARED((N, HALF), jnp.float32),
            pltpu.VMEM_SHARED((N, HALF), jnp.float32),
            pltpu.VMEM_SHARED((N,), jnp.float32),
            pltpu.VMEM((CH, HALF), jnp.float32),
            pltpu.VMEM((CH, HALF), jnp.float32),
            pltpu.VMEM((CH, HALF), jnp.float32),
            pltpu.VMEM((CH, HALF), jnp.float32),
            pltpu.VMEM((2 * KI, 128), jnp.int32),
            pltpu.VMEM((2 * KI, 128), jnp.int32),
            pltpu.VMEM((2 * KI, 128), jnp.int32),
            pltpu.VMEM((2 * KI, 128), jnp.int32),
            pltpu.VMEM((128,), jnp.float32),
            pltpu.SemaphoreType.DMA,
            pltpu.SemaphoreType.DMA,
            pltpu.SemaphoreType.DMA,
            pltpu.SemaphoreType.DMA,
            pltpu.SemaphoreType.DMA,
            pltpu.SemaphoreType.DMA,
            pltpu.SemaphoreType.DMA,
            pltpu.SemaphoreType.DMA,
            pltpu.SemaphoreType.DMA,
            pltpu.SemaphoreType.DMA,
            pltpu.SemaphoreType.DMA,
            pltpu.SemaphoreType.DMA,
        ],
        compiler_params=pltpu.CompilerParams(use_tc_tiling_on_sc=False),
    )
    def body(nh, eh, idx_h, z2_h, z1_h, ones_h,
             s_out, cnt_out,
             table, acc, cnt, ebuf0, ebuf1, ebuf2, ebuf3,
             ibuf0, ibuf1, ibuf2, ibuf3, ones_v,
             sem_l0, sem_l1, sem_l2, sem_l3,
             sem_g0, sem_g1, sem_g2, sem_g3,
             sem_s0, sem_s1, sem_s2, sem_s3):
        cid = lax.axis_index("c")
        sid = lax.axis_index("s")
        c0 = cid * HALF
        r0 = sid * RPT
        NB = 4
        ebufs = (ebuf0, ebuf1, ebuf2, ebuf3)
        ibufs = (ibuf0, ibuf1, ibuf2, ibuf3)
        sems = (sem_l0, sem_l1, sem_l2, sem_l3)
        sems_g = (sem_g0, sem_g1, sem_g2, sem_g3)
        sems_s = (sem_s0, sem_s1, sem_s2, sem_s3)

        n_my = (NCH - sid + NS - 1) // NS

        def first_loads():
            c = sid
            pltpu.make_async_copy(idx_h.at[:, c], ibuf0, sem_l0).start()
            pltpu.make_async_copy(
                eh.at[pl.ds(c * CH, CH), pl.ds(c0, HALF)], ebuf0,
                sem_l0).start()

        @pl.when(n_my > 0)
        def _():
            first_loads()

        pltpu.sync_copy(nh.at[pl.ds(r0, RPT), pl.ds(c0, HALF)],
                        table.at[pl.ds(r0, RPT)])
        pltpu.sync_copy(z2_h, acc.at[pl.ds(r0, RPT)])
        pltpu.sync_copy(ones_h, ones_v)

        @pl.when(sid == 0)
        def _():
            pltpu.sync_copy(z1_h, cnt)

        plsc.subcore_barrier()

        def loads(g, b, start):
            c = sid + g * NS
            d1 = pltpu.make_async_copy(idx_h.at[:, c], ibufs[b], sems[b])
            d2 = pltpu.make_async_copy(
                eh.at[pl.ds(c * CH, CH), pl.ds(c0, HALF)], ebufs[b], sems[b])
            for d in (d1, d2):
                d.start() if start else d.wait()

        def gather(b, start):
            d = pltpu.make_async_copy(table.at[ibufs[b].at[0]], ebufs[b],
                                      sems_g[b])
            d.start(add=True) if start else d.wait()

        def scat_issue(b, g):
            pltpu.async_copy(ebufs[b], acc.at[ibufs[b].at[1]], sems_s[b],
                             add=True)

            @pl.when(lax.rem(g, 2) == cid)
            def _():
                pltpu.async_copy(ones_v, cnt.at[ibufs[b].at[1]], sems_s[b],
                                 add=True)

        def drain_scat(b, g):
            pltpu.make_async_copy(ebufs[b], acc.at[ibufs[b].at[1]],
                                  sems_s[b]).wait()

            @pl.when(lax.rem(g, 2) == cid)
            def _():
                pltpu.make_async_copy(ones_v, cnt.at[ibufs[b].at[1]],
                                      sems_s[b]).wait()

        def step(g, b):
            pb = (b - 1) % NB
            nb = (b + 1) % NB

            @pl.when(jnp.logical_and(g >= 1, g <= n_my))
            def _():
                gather(pb, start=False)
                scat_issue(pb, g - 1)

            @pl.when(g + 1 < n_my)
            def _():
                @pl.when(g >= 3)
                def _():
                    drain_scat(nb, g - 3)

                loads(g + 1, nb, start=True)

            @pl.when(g < n_my)
            def _():
                loads(g, b, start=False)
                gather(b, start=True)

        def quad_body(p, carry):
            for b in range(NB):
                g = p * NB + b

                @pl.when(g <= n_my)
                def _():
                    step(g, b)

            return carry

        lax.fori_loop(0, (n_my + 1 + NB - 1) // NB, quad_body, 0)

        for b in range(NB):
            g_b = n_my - 1 - lax.rem(n_my - 1 - b + 4 * NB, NB)

            @pl.when(g_b >= 0)
            def _():
                drain_scat(b, g_b)

        plsc.subcore_barrier()

        pltpu.sync_copy(acc.at[pl.ds(r0, RPT)],
                        s_out.at[pl.ds(r0, RPT), pl.ds(c0, HALF)])

        @pl.when(sid == 0)
        def _():
            pltpu.sync_copy(cnt, cnt_out.at[cid])

    return body(node_hidden, edge_hidden, idx3, z2, z1, ones1)


def _tc_dense(seg, cnt3a, cnt3b, node_hidden, W_proj, b_proj2, W_node,
              b_node2):
    N, D = node_hidden.shape
    BLK = 2000
    G = N // BLK

    def body(s_ref, cnta_ref, cntb_ref, nh_ref, wp_ref, bp_ref, wn_ref,
             bn_ref, out_ref, acc_t, acc_nh):
        i = pl.program_id(0)

        @pl.when(i == 0)
        def _():
            acc_t[...] = jnp.zeros_like(acc_t)
            acc_nh[...] = jnp.zeros_like(acc_nh)

        s = s_ref[...]
        cnt = cnta_ref[0, 0, :] + cntb_ref[0, 0, :]
        agg = (jnp.dot(s, wp_ref[...], preferred_element_type=jnp.float32)
               + 2.0 * cnt[:, None] * bp_ref[...])
        t = jnp.maximum(
            jnp.dot(agg, wn_ref[...], preferred_element_type=jnp.float32)
            + bn_ref[...], 0.0)
        acc_t[...] += jnp.sum(t, axis=0, keepdims=True)
        acc_nh[...] += jnp.sum(nh_ref[...], axis=0, keepdims=True)

        @pl.when(i == G - 1)
        def _():
            tot = acc_t[...] + jnp.dot(acc_nh[...], wp_ref[...],
                                       preferred_element_type=jnp.float32)
            out_ref[...] = tot * (1.0 / N) + bp_ref[...]

    return pl.pallas_call(
        body,
        grid=(G,),
        in_specs=[
            pl.BlockSpec((BLK, D), lambda i: (i, 0)),
            pl.BlockSpec((1, 1, BLK), lambda i: (i, 0, 0)),
            pl.BlockSpec((1, 1, BLK), lambda i: (i, 0, 0)),
            pl.BlockSpec((BLK, D), lambda i: (i, 0)),
            pl.BlockSpec((D, D), lambda i: (0, 0)),
            pl.BlockSpec((1, D), lambda i: (0, 0)),
            pl.BlockSpec((D, D), lambda i: (0, 0)),
            pl.BlockSpec((1, D), lambda i: (0, 0)),
        ],
        out_specs=pl.BlockSpec((1, D), lambda i: (0, 0)),
        out_shape=jax.ShapeDtypeStruct((1, D), jnp.float32),
        scratch_shapes=[
            pltpu.VMEM((1, D), jnp.float32),
            pltpu.VMEM((1, D), jnp.float32),
        ],
    )(seg, cnt3a, cnt3b, node_hidden, W_proj, b_proj2, W_node, b_node2)


def kernel(atom_bond_graph, bond_angle_graph, node_hidden, edge_hidden,
           W_proj, b_proj, W_node, b_node, W_edge, b_edge):
    N, D = node_hidden.shape
    E = edge_hidden.shape[0]
    NCH = E // CH

    idx3 = atom_bond_graph.reshape(2, NCH, 128).astype(jnp.int32)
    z2 = jnp.zeros((N // NS, HALF), jnp.float32)
    z1 = jnp.zeros((N,), jnp.float32)
    ones1 = jnp.ones((128,), jnp.float32)

    seg, cnt = _sc_segment_sum(node_hidden, edge_hidden, idx3, z2, z1, ones1)

    cnt3a = cnt[0].reshape(N // 2000, 1, 2000)
    cnt3b = cnt[1].reshape(N // 2000, 1, 2000)
    out = _tc_dense(seg, cnt3a, cnt3b, node_hidden, W_proj,
                    b_proj.reshape(1, D), W_node, b_node.reshape(1, D))
    return out.reshape(D)

# --- scband reference (transcript-rebuilt; emitter-appended) ---
"""Pipeline reference for scband-drug-encoder-50972671869198 (READ-ONLY COPY).

The authoritative reference and input builder live on the scoring server;
editing this copy changes nothing except your own understanding.
"""

import jax, jax.numpy as jnp
import numpy as np

N = 10000   # atoms
E = 320000  # bonds (edges in atom-bond graph)
A = 640000  # angles (edges in bond-angle graph)
D = 128     # in_dim
H = 128     # hidden_dim


def setup_inputs(seed: int = 0) -> dict:
    key = jax.random.key(seed)
    ks = jax.random.split(key, 10)
    scale = 1.0 / np.sqrt(H)
    return {
        "atom_bond_graph": jax.random.randint(ks[0], (2, E), 0, N, dtype=jnp.int64) if jax.config.jax_enable_x64 else jax.random.randint(ks[0], (2, E), 0, N).astype(jnp.int32),
        "bond_angle_graph": jax.random.randint(ks[1], (2, A), 0, E, dtype=jnp.int64) if jax.config.jax_enable_x64 else jax.random.randint(ks[1], (2, A), 0, E).astype(jnp.int32),
        "node_hidden": jax.random.normal(ks[2], (N, D), dtype=jnp.float32),
        "edge_hidden": jax.random.normal(ks[3], (E, D), dtype=jnp.float32),
        "W_proj": jax.random.normal(ks[4], (D, H), dtype=jnp.float32) * scale,
        "b_proj": jnp.zeros((H,), dtype=jnp.float32),
        "W_node": jax.random.normal(ks[5], (H, H), dtype=jnp.float32) * scale,
        "b_node": jnp.zeros((H,), dtype=jnp.float32),
        "W_edge": jax.random.normal(ks[6], (H, H), dtype=jnp.float32) * scale,
        "b_edge": jnp.zeros((H,), dtype=jnp.float32),
    }


def reference(atom_bond_graph, bond_angle_graph, node_hidden, edge_hidden,
              W_proj, b_proj, W_node, b_node, W_edge, b_edge):
    # atom_proj applied to both node and edge hidden states (as in original forward)
    x = node_hidden @ W_proj + b_proj
    e = edge_hidden @ W_proj + b_proj

    # GEMConv on atom-bond graph: message = x[src] + bond_feat, scatter-add to dst
    src = atom_bond_graph[0]
    dst = atom_bond_graph[1]
    msg = jnp.take(x, src, axis=0) + e
    agg = jax.ops.segment_sum(msg, dst, num_segments=N)
    x_new = jax.nn.relu(agg @ W_node + b_node) + x

    # GEMConv on bond-angle graph: bonds act as nodes, angles as edges
    asrc = bond_angle_graph[0]
    adst = bond_angle_graph[1]
    emsg = jnp.take(e, asrc, axis=0)
    eagg = jax.ops.segment_sum(emsg, adst, num_segments=E)
    e_new = jax.nn.relu(eagg @ W_edge + b_edge) + e

    # graph-level readout (mean pool over atoms)
    graph_repr = jnp.mean(x_new, axis=0)
    return graph_repr

if __name__ == "__main__":
    import jax
    _d = setup_inputs()
    print(jax.jit(kernel)(*tuple(_d.values())))

</pallas_src>

<mosaic_0001>
#map = affine_map<(d0, d1) -> (0, 0)>
#map1 = affine_map<(d0, d1) -> (0, 0, 0)>
#map2 = affine_map<(d0, d1) -> (0)>
module attributes {stable_mosaic.version = 14 : i64} {
  func.func @body(%arg0: i32, %arg1: i32, %arg2: memref<10000x128xf32, #tpu.memory_space<hbm>>, %arg3: memref<320000x128xf32, #tpu.memory_space<hbm>>, %arg4: memref<2x2500x128xi32, #tpu.memory_space<hbm>>, %arg5: memref<625x64xf32, #tpu.memory_space<hbm>>, %arg6: memref<10000xf32, #tpu.memory_space<hbm>>, %arg7: memref<128xf32, #tpu.memory_space<hbm>>, %arg8: memref<10000x128xf32, #tpu.memory_space<hbm>>, %arg9: memref<2x10000xf32, #tpu.memory_space<hbm>>, %arg10: memref<10000x64xf32, #tpu.memory_space<vmem_shared>>, %arg11: memref<10000x64xf32, #tpu.memory_space<vmem_shared>>, %arg12: memref<10000xf32, #tpu.memory_space<vmem_shared>>, %arg13: memref<128x64xf32, #tpu.memory_space<vmem>>, %arg14: memref<128x64xf32, #tpu.memory_space<vmem>>, %arg15: memref<128x64xf32, #tpu.memory_space<vmem>>, %arg16: memref<128x64xf32, #tpu.memory_space<vmem>>, %arg17: memref<2x128xi32, #tpu.memory_space<vmem>>, %arg18: memref<2x128xi32, #tpu.memory_space<vmem>>, %arg19: memref<2x128xi32, #tpu.memory_space<vmem>>, %arg20: memref<2x128xi32, #tpu.memory_space<vmem>>, %arg21: memref<128xf32, #tpu.memory_space<vmem>>, %arg22: memref<!tpu.dma_semaphore, #tpu.memory_space<semaphore_mem>>, %arg23: memref<!tpu.dma_semaphore, #tpu.memory_space<semaphore_mem>>, %arg24: memref<!tpu.dma_semaphore, #tpu.memory_space<semaphore_mem>>, %arg25: memref<!tpu.dma_semaphore, #tpu.memory_space<semaphore_mem>>, %arg26: memref<!tpu.dma_semaphore, #tpu.memory_space<semaphore_mem>>, %arg27: memref<!tpu.dma_semaphore, #tpu.memory_space<semaphore_mem>>, %arg28: memref<!tpu.dma_semaphore, #tpu.memory_space<semaphore_mem>>, %arg29: memref<!tpu.dma_semaphore, #tpu.memory_space<semaphore_mem>>, %arg30: memref<!tpu.dma_semaphore, #tpu.memory_space<semaphore_mem>>, %arg31: memref<!tpu.dma_semaphore, #tpu.memory_space<semaphore_mem>>, %arg32: memref<!tpu.dma_semaphore, #tpu.memory_space<semaphore_mem>>, %arg33: memref<!tpu.dma_semaphore, #tpu.memory_space<semaphore_mem>>) attributes {dimension_semantics = [#tpu.dimension_semantics<core_parallel>, #tpu.dimension_semantics<subcore_parallel>], iteration_bounds = array<i64: 2, 16>, scalar_prefetch = 0 : i64, scratch_operands = 24 : i64, tpu.core_type = #tpu.core_type<sc_vector_subcore>, window_params = [{transform_indices = #map}, {transform_indices = #map}, {transform_indices = #map1}, {transform_indices = #map}, {transform_indices = #map2}, {transform_indices = #map2}, {transform_indices = #map}, {transform_indices = #map}]} {
    %mul3A = arith.constant 64 : i32
    %mul3A_0 = arith.muli %arg0, %mul3A : i32
    %mul3A_1 = arith.constant 625 : i32
    %mul3A_2 = arith.muli %arg1, %mul3A_1 : i32
    %sub3A = arith.constant 2500 : i32
    %sub3A_3 = arith.subi %sub3A, %arg1 : i32
    %add3A = arith.constant 16 : i32
    %add3A_4 = arith.addi %sub3A_3, %add3A : i32
    %sub3A_5 = arith.constant 1 : i32
    %sub3A_6 = arith.subi %add3A_4, %sub3A_5 : i32
    %jit3A = arith.constant 16 : i32
    %div3A = arith.divsi %sub3A_6, %jit3A : i32
    %sign3A = arith.constant 0 : i32
    %sign3A_7 = arith.cmpi sgt, %sub3A_6, %sign3A : i32
    %sign3A_8 = arith.extui %sign3A_7 : i1 to i32
    %sign3A_9 = arith.constant 0 : i32
    %sign3A_10 = arith.cmpi slt, %sub3A_6, %sign3A_9 : i32
    %sign3A_11 = arith.extui %sign3A_10 : i1 to i32
    %sign3A_12 = arith.subi %sign3A_8, %sign3A_11 : i32
    %sign3A_13 = arith.constant 0 : i32
    %sign3A_14 = arith.cmpi sgt, %jit3A, %sign3A_13 : i32
    %sign3A_15 = arith.extui %sign3A_14 : i1 to i32
    %sign3A_16 = arith.constant 0 : i32
    %sign3A_17 = arith.cmpi slt, %jit3A, %sign3A_16 : i32
    %sign3A_18 = arith.extui %sign3A_17 : i1 to i32
    %sign3A_19 = arith.subi %sign3A_15, %sign3A_18 : i32
    %ne3A = arith.cmpi ne, %sign3A_12, %sign3A_19 : i32
    %rem3A = arith.remsi %sub3A_6, %jit3A : i32
    %ne3A_20 = arith.constant 0 : i32
    %ne3A_21 = arith.cmpi ne, %rem3A, %ne3A_20 : i32
    %and3A = arith.andi %ne3A, %ne3A_21 : i1
    %sub3A_22 = arith.constant 1 : i32
    %sub3A_23 = arith.subi %div3A, %sub3A_22 : i32
    %select_n3A = arith.select %and3A, %sub3A_23, %div3A : i32
    %gt3A = arith.constant 0 : i32
    %gt3A_24 = arith.cmpi sgt, %select_n3A, %gt3A : i32
    %convert_element_type3A = arith.extui %gt3A_24 : i1 to i32
    %cond3A = arith.constant 0 : i32
    %cond3A_25 = arith.cmpi ne, %convert_element_type3A, %cond3A : i32
    scf.if %cond3A_25 {
      %dma_start3A = arith.constant 0 : i32
      %dma_start3A_138 = arith.constant 0 : i32
      %dma_start3A_139 = tpu.memref_slice %arg4[%dma_start3A, %arg1, %dma_start3A_138] : memref<2x2500x128xi32, #tpu.memory_space<hbm>> -> memref<2x1x128xi32, #tpu.memory_space<hbm>>
      %dma_start3A_140 = tpu.memref_squeeze %dma_start3A_139 : memref<2x1x128xi32, #tpu.memory_space<hbm>> -> memref<2x128xi32, #tpu.memory_space<hbm>>
      %dma_start3A_141 = arith.constant 0 : i32
      %dma_start3A_142 = arith.constant 0 : i32
      %dma_start3A_143 = tpu.memref_slice %arg4[%dma_start3A_141, %arg1, %dma_start3A_142] : memref<2x2500x128xi32, #tpu.memory_space<hbm>> -> memref<2x1x128xi32, #tpu.memory_space<hbm>>
      %dma_start3A_144 = tpu.memref_squeeze %dma_start3A_143 : memref<2x1x128xi32, #tpu.memory_space<hbm>> -> memref<2x128xi32, #tpu.memory_space<hbm>>
      tpu.enqueue_dma source(%dma_start3A_144 : memref<2x128xi32, #tpu.memory_space<hbm>>) target(%arg17 : memref<2x128xi32, #tpu.memory_space<vmem>>) target_semaphore(%arg22 : memref<!tpu.dma_semaphore, #tpu.memory_space<semaphore_mem>>)
      %mul3A_145 = arith.constant 128 : i32
      %mul3A_146 = arith.muli %arg1, %mul3A_145 : i32
      %dma_start3A_147 = tpu.memref_slice %arg3[%mul3A_146, %mul3A_0] : memref<320000x128xf32, #tpu.memory_space<hbm>> -> memref<128x64xf32, #tpu.memory_space<hbm>>
      %dma_start3A_148 = tpu.memref_slice %arg3[%mul3A_146, %mul3A_0] : memref<320000x128xf32, #tpu.memory_space<hbm>> -> memref<128x64xf32, #tpu.memory_space<hbm>>
      tpu.enqueue_dma source(%dma_start3A_148 : memref<128x64xf32, #tpu.memory_space<hbm>>) target(%arg13 : memref<128x64xf32, #tpu.memory_space<vmem>>) target_semaphore(%arg22 : memref<!tpu.dma_semaphore, #tpu.memory_space<semaphore_mem>>)
    } else {
    }
    "tpu.region"() ({
      %run_scoped3A = tpu.sem_alloc : memref<!tpu.dma_semaphore, #tpu.memory_space<semaphore_mem>>
      %dma_start3A = arith.constant 0 : i32
      %dma_start3A_138 = tpu.memref_slice %arg10[%mul3A_2, %dma_start3A] : memref<10000x64xf32, #tpu.memory_space<vmem_shared>> -> memref<625x64xf32, #tpu.memory_space<vmem_shared>>
      %dma_start3A_139 = tpu.memref_slice %arg2[%mul3A_2, %mul3A_0] : memref<10000x128xf32, #tpu.memory_space<hbm>> -> memref<625x64xf32, #tpu.memory_space<hbm>>
      tpu.enqueue_dma source(%dma_start3A_139 : memref<625x64xf32, #tpu.memory_space<hbm>>) target(%dma_start3A_138 : memref<625x64xf32, #tpu.memory_space<vmem_shared>>) target_semaphore(%run_scoped3A : memref<!tpu.dma_semaphore, #tpu.memory_space<semaphore_mem>>)
      %dma_wait3A = arith.constant 0 : i32
      %dma_wait3A_140 = tpu.memref_slice %arg10[%mul3A_2, %dma_wait3A] : memref<10000x64xf32, #tpu.memory_space<vmem_shared>> -> memref<625x64xf32, #tpu.memory_space<vmem_shared>>
      %dma_wait3A_141 = tpu.memref_slice %arg2[%mul3A_2, %mul3A_0] : memref<10000x128xf32, #tpu.memory_space<hbm>> -> memref<625x64xf32, #tpu.memory_space<hbm>>
      tpu.wait_dma2 semaphore(%run_scoped3A : memref<!tpu.dma_semaphore, #tpu.memory_space<semaphore_mem>>) src(%dma_wait3A_141 : memref<625x64xf32, #tpu.memory_space<hbm>>) dst(%dma_wait3A_140 : memref<625x64xf32, #tpu.memory_space<vmem_shared>>)
      tpu.yield
    }) : () -> ()
    "tpu.region"() ({
      %run_scoped3A = tpu.sem_alloc : memref<!tpu.dma_semaphore, #tpu.memory_space<semaphore_mem>>
      %dma_start3A = arith.constant 0 : i32
      %dma_start3A_138 = tpu.memref_slice %arg11[%mul3A_2, %dma_start3A] : memref<10000x64xf32, #tpu.memory_space<vmem_shared>> -> memref<625x64xf32, #tpu.memory_space<vmem_shared>>
      tpu.enqueue_dma source(%arg5 : memref<625x64xf32, #tpu.memory_space<hbm>>) target(%dma_start3A_138 : memref<625x64xf32, #tpu.memory_space<vmem_shared>>) target_semaphore(%run_scoped3A : memref<!tpu.dma_semaphore, #tpu.memory_space<semaphore_mem>>)
      %dma_wait3A = arith.constant 0 : i32
      %dma_wait3A_139 = tpu.memref_slice %arg11[%mul3A_2, %dma_wait3A] : memref<10000x64xf32, #tpu.memory_space<vmem_shared>> -> memref<625x64xf32, #tpu.memory_space<vmem_shared>>
      tpu.wait_dma2 semaphore(%run_scoped3A : memref<!tpu.dma_semaphore, #tpu.memory_space<semaphore_mem>>) src(%arg5 : memref<625x64xf32, #tpu.memory_space<hbm>>) dst(%dma_wait3A_139 : memref<625x64xf32, #tpu.memory_space<vmem_shared>>)
      tpu.yield
    }) : () -> ()
    "tpu.region"() ({
      %run_scoped3A = tpu.sem_alloc : memref<!tpu.dma_semaphore, #tpu.memory_space<semaphore_mem>>
      tpu.enqueue_dma source(%arg7 : memref<128xf32, #tpu.memory_space<hbm>>) target(%arg21 : memref<128xf32, #tpu.memory_space<vmem>>) target_semaphore(%run_scoped3A : memref<!tpu.dma_semaphore, #tpu.memory_space<semaphore_mem>>)
      tpu.wait_dma2 semaphore(%run_scoped3A : memref<!tpu.dma_semaphore, #tpu.memory_space<semaphore_mem>>) src(%arg7 : memref<128xf32, #tpu.memory_space<hbm>>) dst(%arg21 : memref<128xf32, #tpu.memory_space<vmem>>)
      tpu.yield
    }) : () -> ()
    %eq3A = arith.constant 0 : i32
    %eq3A_26 = arith.cmpi eq, %arg1, %eq3A : i32
    %convert_element_type3A_27 = arith.extui %eq3A_26 : i1 to i32
    %cond3A_28 = arith.constant 0 : i32
    %cond3A_29 = arith.cmpi ne, %convert_element_type3A_27, %cond3A_28 : i32
    scf.if %cond3A_29 {
      "tpu.region"() ({
        %run_scoped3A = tpu.sem_alloc : memref<!tpu.dma_semaphore, #tpu.memory_space<semaphore_mem>>
        tpu.enqueue_dma source(%arg6 : memref<10000xf32, #tpu.memory_space<hbm>>) target(%arg12 : memref<10000xf32, #tpu.memory_space<vmem_shared>>) target_semaphore(%run_scoped3A : memref<!tpu.dma_semaphore, #tpu.memory_space<semaphore_mem>>)
        tpu.wait_dma2 semaphore(%run_scoped3A : memref<!tpu.dma_semaphore, #tpu.memory_space<semaphore_mem>>) src(%arg6 : memref<10000xf32, #tpu.memory_space<hbm>>) dst(%arg12 : memref<10000xf32, #tpu.memory_space<vmem_shared>>)
        tpu.yield
      }) : () -> ()
    } else {
    }
    %barrier3A = arith.constant 0 : index
    tpu.barrier barrier_id(%barrier3A)
    %add3A_30 = arith.constant 1 : i32
    %add3A_31 = arith.addi %select_n3A, %add3A_30 : i32
    %add3A_32 = arith.constant 4 : i32
    %add3A_33 = arith.addi %add3A_31, %add3A_32 : i32
    %sub3A_34 = arith.constant 1 : i32
    %sub3A_35 = arith.subi %add3A_33, %sub3A_34 : i32
    %jit3A_36 = arith.constant 4 : i32
    %div3A_37 = arith.divsi %sub3A_35, %jit3A_36 : i32
    %sign3A_38 = arith.constant 0 : i32
    %sign3A_39 = arith.cmpi sgt, %sub3A_35, %sign3A_38 : i32
    %sign3A_40 = arith.extui %sign3A_39 : i1 to i32
    %sign3A_41 = arith.constant 0 : i32
    %sign3A_42 = arith.cmpi slt, %sub3A_35, %sign3A_41 : i32
    %sign3A_43 = arith.extui %sign3A_42 : i1 to i32
    %sign3A_44 = arith.subi %sign3A_40, %sign3A_43 : i32
    %sign3A_45 = arith.constant 0 : i32
    %sign3A_46 = arith.cmpi sgt, %jit3A_36, %sign3A_45 : i32
    %sign3A_47 = arith.extui %sign3A_46 : i1 to i32
    %sign3A_48 = arith.constant 0 : i32
    %sign3A_49 = arith.cmpi slt, %jit3A_36, %sign3A_48 : i32
    %sign3A_50 = arith.extui %sign3A_49 : i1 to i32
    %sign3A_51 = arith.subi %sign3A_47, %sign3A_50 : i32
    %ne3A_52 = arith.cmpi ne, %sign3A_44, %sign3A_51 : i32
    %rem3A_53 = arith.remsi %sub3A_35, %jit3A_36 : i32
    %ne3A_54 = arith.constant 0 : i32
    %ne3A_55 = arith.cmpi ne, %rem3A_53, %ne3A_54 : i32
    %and3A_56 = arith.andi %ne3A_52, %ne3A_55 : i1
    %sub3A_57 = arith.constant 1 : i32
    %sub3A_58 = arith.subi %div3A_37, %sub3A_57 : i32
    %select_n3A_59 = arith.select %and3A_56, %sub3A_58, %div3A_37 : i32
    %while3A = arith.constant 0 : i32
    %while3A_60 = arith.constant 0 : i32
    %while3A_61 = arith.subi %select_n3A_59, %while3A_60 : i32
    %while3A_62 = arith.addi %while3A_60, %while3A_61 : i32
    %while3A_63 = arith.constant 1 : i32
    %while3A_64 = arith.divsi %while3A_61, %while3A_63 : i32
    %while3A_65 = arith.muli %while3A_64, %while3A_63 : i32
    %while3A_66 = arith.addi %while3A_60, %while3A_65 : i32
    %while3A_67 = arith.constant 1 : i32
    scf.for %while3A_138 = %while3A_60 to %while3A_66 step %while3A_67  : i32 {
      %mul3A_139 = arith.constant 4 : i32
      %mul3A_140 = arith.muli %while3A_138, %mul3A_139 : i32
      %add3A_141 = arith.constant 0 : i32
      %add3A_142 = arith.addi %mul3A_140, %add3A_141 : i32
      %le3A = arith.cmpi sle, %add3A_142, %select_n3A : i32
      %convert_element_type3A_143 = arith.extui %le3A : i1 to i32
      %cond3A_144 = arith.constant 0 : i32
      %cond3A_145 = arith.cmpi ne, %convert_element_type3A_143, %cond3A_144 : i32
      scf.if %cond3A_145 {
        %ge3A_170 = arith.constant 1 : i32
        %ge3A_171 = arith.cmpi sge, %add3A_142, %ge3A_170 : i32
        %le3A_172 = arith.cmpi sle, %add3A_142, %select_n3A : i32
        %and3A_173 = arith.andi %ge3A_171, %le3A_172 : i1
        %convert_element_type3A_174 = arith.extui %and3A_173 : i1 to i32
        %cond3A_175 = arith.constant 0 : i32
        %cond3A_176 = arith.cmpi ne, %convert_element_type3A_174, %cond3A_175 : i32
        scf.if %cond3A_176 {
          %dma_wait3A = arith.constant 0 : i32
          %dma_wait3A_186 = arith.constant 0 : i32
          %dma_wait3A_187 = tpu.memref_slice %arg20[%dma_wait3A, %dma_wait3A_186] : memref<2x128xi32, #tpu.memory_space<vmem>> -> memref<1x128xi32, #tpu.memory_space<vmem>>
          %dma_wait3A_188 = tpu.memref_squeeze %dma_wait3A_187 : memref<1x128xi32, #tpu.memory_space<vmem>> -> memref<128xi32, #tpu.memory_space<vmem>>
          %dma_wait3A_189 = arith.constant 0 : i32
          %dma_wait3A_190 = arith.constant 0 : i32
          %dma_wait3A_191 = tpu.memref_slice %arg10[%dma_wait3A_189, %dma_wait3A_190] : memref<10000x64xf32, #tpu.memory_space<vmem_shared>> -> memref<10000x64xf32, #tpu.memory_space<vmem_shared>>
          tpu.wait_indirect_dma semaphore(%arg29 : memref<!tpu.dma_semaphore, #tpu.memory_space<semaphore_mem>>) src(%dma_wait3A_191 : memref<10000x64xf32, #tpu.memory_space<vmem_shared>>) dst(%arg16 : memref<128x64xf32, #tpu.memory_space<vmem>>)
          %sub3A_192 = arith.constant 1 : i32
          %sub3A_193 = arith.subi %add3A_142, %sub3A_192 : i32
          %dma_start3A = arith.constant 1 : i32
          %dma_start3A_194 = arith.constant 0 : i32
          %dma_start3A_195 = tpu.memref_slice %arg20[%dma_start3A, %dma_start3A_194] : memref<2x128xi32, #tpu.memory_space<vmem>> -> memref<1x128xi32, #tpu.memory_space<vmem>>
          %dma_start3A_196 = tpu.memref_squeeze %dma_start3A_195 : memref<1x128xi32, #tpu.memory_space<vmem>> -> memref<128xi32, #tpu.memory_space<vmem>>
          %dma_start3A_197 = arith.constant 0 : i32
          %dma_start3A_198 = arith.constant 0 : i32
          %dma_start3A_199 = tpu.memref_slice %arg11[%dma_start3A_197, %dma_start3A_198] : memref<10000x64xf32, #tpu.memory_space<vmem_shared>> -> memref<10000x64xf32, #tpu.memory_space<vmem_shared>>
          tpu.enqueue_indirect_dma source(%arg16 : memref<128x64xf32, #tpu.memory_space<vmem>>) target(%dma_start3A_199 : memref<10000x64xf32, #tpu.memory_space<vmem_shared>>) offsets(%dma_start3A_196 : memref<128xi32, #tpu.memory_space<vmem>>) semaphore(%arg33 : memref<!tpu.dma_semaphore, #tpu.memory_space<semaphore_mem>>) {add = true}
          %rem3A_200 = arith.constant 2 : i32
          %rem3A_201 = arith.remsi %sub3A_193, %rem3A_200 : i32
          %eq3A_202 = arith.cmpi eq, %rem3A_201, %arg0 : i32
          %convert_element_type3A_203 = arith.extui %eq3A_202 : i1 to i32
          %cond3A_204 = arith.constant 0 : i32
          %cond3A_205 = arith.cmpi ne, %convert_element_type3A_203, %cond3A_204 : i32
          scf.if %cond3A_205 {
            %dma_start3A_206 = arith.constant 1 : i32
            %dma_start3A_207 = arith.constant 0 : i32
            %dma_start3A_208 = tpu.memref_slice %arg20[%dma_start3A_206, %dma_start3A_207] : memref<2x128xi32, #tpu.memory_space<vmem>> -> memref<1x128xi32, #tpu.memory_space<vmem>>
            %dma_start3A_209 = tpu.memref_squeeze %dma_start3A_208 : memref<1x128xi32, #tpu.memory_space<vmem>> -> memref<128xi32, #tpu.memory_space<vmem>>
            %dma_start3A_210 = arith.constant 0 : i32
            %dma_start3A_211 = tpu.memref_slice %arg12[%dma_start3A_210] : memref<10000xf32, #tpu.memory_space<vmem_shared>> -> memref<10000xf32, #tpu.memory_space<vmem_shared>>
            tpu.enqueue_indirect_dma source(%arg21 : memref<128xf32, #tpu.memory_space<vmem>>) target(%dma_start3A_211 : memref<10000xf32, #tpu.memory_space<vmem_shared>>) offsets(%dma_start3A_209 : memref<128xi32, #tpu.memory_space<vmem>>) semaphore(%arg33 : memref<!tpu.dma_semaphore, #tpu.memory_space<semaphore_mem>>) {add = true}
          } else {
          }
        } else {
        }
        %add3A_177 = arith.constant 1 : i32
        %add3A_178 = arith.addi %add3A_142, %add3A_177 : i32
        %lt3A = arith.cmpi slt, %add3A_178, %select_n3A : i32
        %convert_element_type3A_179 = arith.extui %lt3A : i1 to i32
        %cond3A_180 = arith.constant 0 : i32
        %cond3A_181 = arith.cmpi ne, %convert_element_type3A_179, %cond3A_180 : i32
        scf.if %cond3A_181 {
          %ge3A_186 = arith.constant 3 : i32
          %ge3A_187 = arith.cmpi sge, %add3A_142, %ge3A_186 : i32
          %convert_element_type3A_188 = arith.extui %ge3A_187 : i1 to i32
          %cond3A_189 = arith.constant 0 : i32
          %cond3A_190 = arith.cmpi ne, %convert_element_type3A_188, %cond3A_189 : i32
          scf.if %cond3A_190 {
            %sub3A_207 = arith.constant 3 : i32
            %sub3A_208 = arith.subi %add3A_142, %sub3A_207 : i32
            %dma_wait3A = arith.constant 1 : i32
            %dma_wait3A_209 = arith.constant 0 : i32
            %dma_wait3A_210 = tpu.memref_slice %arg18[%dma_wait3A, %dma_wait3A_209] : memref<2x128xi32, #tpu.memory_space<vmem>> -> memref<1x128xi32, #tpu.memory_space<vmem>>
            %dma_wait3A_211 = tpu.memref_squeeze %dma_wait3A_210 : memref<1x128xi32, #tpu.memory_space<vmem>> -> memref<128xi32, #tpu.memory_space<vmem>>
            %dma_wait3A_212 = arith.constant 0 : i32
            %dma_wait3A_213 = arith.constant 0 : i32
            %dma_wait3A_214 = tpu.memref_slice %arg11[%dma_wait3A_212, %dma_wait3A_213] : memref<10000x64xf32, #tpu.memory_space<vmem_shared>> -> memref<10000x64xf32, #tpu.memory_space<vmem_shared>>
            tpu.wait_indirect_dma semaphore(%arg31 : memref<!tpu.dma_semaphore, #tpu.memory_space<semaphore_mem>>) src(%arg14 : memref<128x64xf32, #tpu.memory_space<vmem>>) dst(%dma_wait3A_214 : memref<10000x64xf32, #tpu.memory_space<vmem_shared>>)
            %rem3A_215 = arith.constant 2 : i32
            %rem3A_216 = arith.remsi %sub3A_208, %rem3A_215 : i32
            %eq3A_217 = arith.cmpi eq, %rem3A_216, %arg0 : i32
            %convert_element_type3A_218 = arith.extui %eq3A_217 : i1 to i32
            %cond3A_219 = arith.constant 0 : i32
            %cond3A_220 = arith.cmpi ne, %convert_element_type3A_218, %cond3A_219 : i32
            scf.if %cond3A_220 {
              %dma_wait3A_221 = arith.constant 1 : i32
              %dma_wait3A_222 = arith.constant 0 : i32
              %dma_wait3A_223 = tpu.memref_slice %arg18[%dma_wait3A_221, %dma_wait3A_222] : memref<2x128xi32, #tpu.memory_space<vmem>> -> memref<1x128xi32, #tpu.memory_space<vmem>>
              %dma_wait3A_224 = tpu.memref_squeeze %dma_wait3A_223 : memref<1x128xi32, #tpu.memory_space<vmem>> -> memref<128xi32, #tpu.memory_space<vmem>>
              %dma_wait3A_225 = arith.constant 0 : i32
              %dma_wait3A_226 = tpu.memref_slice %arg12[%dma_wait3A_225] : memref<10000xf32, #tpu.memory_space<vmem_shared>> -> memref<10000xf32, #tpu.memory_space<vmem_shared>>
              tpu.wait_indirect_dma semaphore(%arg31 : memref<!tpu.dma_semaphore, #tpu.memory_space<semaphore_mem>>) src(%arg21 : memref<128xf32, #tpu.memory_space<vmem>>) dst(%dma_wait3A_226 : memref<10000xf32, #tpu.memory_space<vmem_shared>>)
            } else {
            }
          } else {
          }
          %add3A_191 = arith.constant 1 : i32
          %add3A_192 = arith.addi %add3A_142, %add3A_191 : i32
          %mul3A_193 = arith.constant 16 : i32
          %mul3A_194 = arith.muli %add3A_192, %mul3A_193 : i32
          %add3A_195 = arith.addi %arg1, %mul3A_194 : i32
          %mul3A_196 = arith.constant 128 : i32
          %mul3A_197 = arith.muli %add3A_195, %mul3A_196 : i32
          %dma_start3A = arith.constant 0 : i32
          %dma_start3A_198 = arith.constant 0 : i32
          %dma_start3A_199 = tpu.memref_slice %arg4[%dma_start3A, %add3A_195, %dma_start3A_198] : memref<2x2500x128xi32, #tpu.memory_space<hbm>> -> memref<2x1x128xi32, #tpu.memory_space<hbm>>
          %dma_start3A_200 = tpu.memref_squeeze %dma_start3A_199 : memref<2x1x128xi32, #tpu.memory_space<hbm>> -> memref<2x128xi32, #tpu.memory_space<hbm>>
          %dma_start3A_201 = arith.constant 0 : i32
          %dma_start3A_202 = arith.constant 0 : i32
          %dma_start3A_203 = tpu.memref_slice %arg4[%dma_start3A_201, %add3A_195, %dma_start3A_202] : memref<2x2500x128xi32, #tpu.memory_space<hbm>> -> memref<2x1x128xi32, #tpu.memory_space<hbm>>
          %dma_start3A_204 = tpu.memref_squeeze %dma_start3A_203 : memref<2x1x128xi32, #tpu.memory_space<hbm>> -> memref<2x128xi32, #tpu.memory_space<hbm>>
          tpu.enqueue_dma source(%dma_start3A_204 : memref<2x128xi32, #tpu.memory_space<hbm>>) target(%arg18 : memref<2x128xi32, #tpu.memory_space<vmem>>) target_semaphore(%arg23 : memref<!tpu.dma_semaphore, #tpu.memory_space<semaphore_mem>>)
          %dma_start3A_205 = tpu.memref_slice %arg3[%mul3A_197, %mul3A_0] : memref<320000x128xf32, #tpu.memory_space<hbm>> -> memref<128x64xf32, #tpu.memory_space<hbm>>
          %dma_start3A_206 = tpu.memref_slice %arg3[%mul3A_197, %mul3A_0] : memref<320000x128xf32, #tpu.memory_space<hbm>> -> memref<128x64xf32, #tpu.memory_space<hbm>>
          tpu.enqueue_dma source(%dma_start3A_206 : memref<128x64xf32, #tpu.memory_space<hbm>>) target(%arg14 : memref<128x64xf32, #tpu.memory_space<vmem>>) target_semaphore(%arg23 : memref<!tpu.dma_semaphore, #tpu.memory_space<semaphore_mem>>)
        } else {
        }
        %lt3A_182 = arith.cmpi slt, %add3A_142, %select_n3A : i32
        %convert_element_type3A_183 = arith.extui %lt3A_182 : i1 to i32
        %cond3A_184 = arith.constant 0 : i32
        %cond3A_185 = arith.cmpi ne, %convert_element_type3A_183, %cond3A_184 : i32
        scf.if %cond3A_185 {
          %mul3A_186 = arith.constant 16 : i32
          %mul3A_187 = arith.muli %add3A_142, %mul3A_186 : i32
          %add3A_188 = arith.addi %arg1, %mul3A_187 : i32
          %mul3A_189 = arith.constant 128 : i32
          %mul3A_190 = arith.muli %add3A_188, %mul3A_189 : i32
          %dma_wait3A = arith.constant 0 : i32
          %dma_wait3A_191 = arith.constant 0 : i32
          %dma_wait3A_192 = tpu.memref_slice %arg4[%dma_wait3A, %add3A_188, %dma_wait3A_191] : memref<2x2500x128xi32, #tpu.memory_space<hbm>> -> memref<2x1x128xi32, #tpu.memory_space<hbm>>
          %dma_wait3A_193 = tpu.memref_squeeze %dma_wait3A_192 : memref<2x1x128xi32, #tpu.memory_space<hbm>> -> memref<2x128xi32, #tpu.memory_space<hbm>>
          %dma_wait3A_194 = arith.constant 0 : i32
          %dma_wait3A_195 = arith.constant 0 : i32
          %dma_wait3A_196 = tpu.memref_slice %arg4[%dma_wait3A_194, %add3A_188, %dma_wait3A_195] : memref<2x2500x128xi32, #tpu.memory_space<hbm>> -> memref<2x1x128xi32, #tpu.memory_space<hbm>>
          %dma_wait3A_197 = tpu.memref_squeeze %dma_wait3A_196 : memref<2x1x128xi32, #tpu.memory_space<hbm>> -> memref<2x128xi32, #tpu.memory_space<hbm>>
          tpu.wait_dma2 semaphore(%arg22 : memref<!tpu.dma_semaphore, #tpu.memory_space<semaphore_mem>>) src(%dma_wait3A_197 : memref<2x128xi32, #tpu.memory_space<hbm>>) dst(%arg17 : memref<2x128xi32, #tpu.memory_space<vmem>>)
          %dma_wait3A_198 = tpu.memref_slice %arg3[%mul3A_190, %mul3A_0] : memref<320000x128xf32, #tpu.memory_space<hbm>> -> memref<128x64xf32, #tpu.memory_space<hbm>>
          %dma_wait3A_199 = tpu.memref_slice %arg3[%mul3A_190, %mul3A_0] : memref<320000x128xf32, #tpu.memory_space<hbm>> -> memref<128x64xf32, #tpu.memory_space<hbm>>
          tpu.wait_dma2 semaphore(%arg22 : memref<!tpu.dma_semaphore, #tpu.memory_space<semaphore_mem>>) src(%dma_wait3A_199 : memref<128x64xf32, #tpu.memory_space<hbm>>) dst(%arg13 : memref<128x64xf32, #tpu.memory_space<vmem>>)
          %dma_start3A = arith.constant 0 : i32
          %dma_start3A_200 = arith.constant 0 : i32
          %dma_start3A_201 = tpu.memref_slice %arg17[%dma_start3A, %dma_start3A_200] : memref<2x128xi32, #tpu.memory_space<vmem>> -> memref<1x128xi32, #tpu.memory_space<vmem>>
          %dma_start3A_202 = tpu.memref_squeeze %dma_start3A_201 : memref<1x128xi32, #tpu.memory_space<vmem>> -> memref<128xi32, #tpu.memory_space<vmem>>
          %dma_start3A_203 = arith.constant 0 : i32
          %dma_start3A_204 = arith.constant 0 : i32
          %dma_start3A_205 = tpu.memref_slice %arg10[%dma_start3A_203, %dma_start3A_204] : memref<10000x64xf32, #tpu.memory_space<vmem_shared>> -> memref<10000x64xf32, #tpu.memory_space<vmem_shared>>
          tpu.enqueue_indirect_dma source(%dma_start3A_205 : memref<10000x64xf32, #tpu.memory_space<vmem_shared>>) target(%arg13 : memref<128x64xf32, #tpu.memory_space<vmem>>) offsets(%dma_start3A_202 : memref<128xi32, #tpu.memory_space<vmem>>) semaphore(%arg26 : memref<!tpu.dma_semaphore, #tpu.memory_space<semaphore_mem>>) {add = true}
        } else {
        }
      } else {
      }
      %mul3A_146 = arith.constant 4 : i32
      %mul3A_147 = arith.muli %while3A_138, %mul3A_146 : i32
      %add3A_148 = arith.constant 1 : i32
      %add3A_149 = arith.addi %mul3A_147, %add3A_148 : i32
      %le3A_150 = arith.cmpi sle, %add3A_149, %select_n3A : i32
      %convert_element_type3A_151 = arith.extui %le3A_150 : i1 to i32
      %cond3A_152 = arith.constant 0 : i32
      %cond3A_153 = arith.cmpi ne, %convert_element_type3A_151, %cond3A_152 : i32
      scf.if %cond3A_153 {
        %ge3A_170 = arith.constant 1 : i32
        %ge3A_171 = arith.cmpi sge, %add3A_149, %ge3A_170 : i32
        %le3A_172 = arith.cmpi sle, %add3A_149, %select_n3A : i32
        %and3A_173 = arith.andi %ge3A_171, %le3A_172 : i1
        %convert_element_type3A_174 = arith.extui %and3A_173 : i1 to i32
        %cond3A_175 = arith.constant 0 : i32
        %cond3A_176 = arith.cmpi ne, %convert_element_type3A_174, %cond3A_175 : i32
        scf.if %cond3A_176 {
          %dma_wait3A = arith.constant 0 : i32
          %dma_wait3A_186 = arith.constant 0 : i32
          %dma_wait3A_187 = tpu.memref_slice %arg17[%dma_wait3A, %dma_wait3A_186] : memref<2x128xi32, #tpu.memory_space<vmem>> -> memref<1x128xi32, #tpu.memory_space<vmem>>
          %dma_wait3A_188 = tpu.memref_squeeze %dma_wait3A_187 : memref<1x128xi32, #tpu.memory_space<vmem>> -> memref<128xi32, #tpu.memory_space<vmem>>
          %dma_wait3A_189 = arith.constant 0 : i32
          %dma_wait3A_190 = arith.constant 0 : i32
          %dma_wait3A_191 = tpu.memref_slice %arg10[%dma_wait3A_189, %dma_wait3A_190] : memref<10000x64xf32, #tpu.memory_space<vmem_shared>> -> memref<10000x64xf32, #tpu.memory_space<vmem_shared>>
          tpu.wait_indirect_dma semaphore(%arg26 : memref<!tpu.dma_semaphore, #tpu.memory_space<semaphore_mem>>) src(%dma_wait3A_191 : memref<10000x64xf32, #tpu.memory_space<vmem_shared>>) dst(%arg13 : memref<128x64xf32, #tpu.memory_space<vmem>>)
          %sub3A_192 = arith.constant 1 : i32
          %sub3A_193 = arith.subi %add3A_149, %sub3A_192 : i32
          %dma_start3A = arith.constant 1 : i32
          %dma_start3A_194 = arith.constant 0 : i32
          %dma_start3A_195 = tpu.memref_slice %arg17[%dma_start3A, %dma_start3A_194] : memref<2x128xi32, #tpu.memory_space<vmem>> -> memref<1x128xi32, #tpu.memory_space<vmem>>
          %dma_start3A_196 = tpu.memref_squeeze %dma_start3A_195 : memref<1x128xi32, #tpu.memory_space<vmem>> -> memref<128xi32, #tpu.memory_space<vmem>>
          %dma_start3A_197 = arith.constant 0 : i32
          %dma_start3A_198 = arith.constant 0 : i32
          %dma_start3A_199 = tpu.memref_slice %arg11[%dma_start3A_197, %dma_start3A_198] : memref<10000x64xf32, #tpu.memory_space<vmem_shared>> -> memref<10000x64xf32, #tpu.memory_space<vmem_shared>>
          tpu.enqueue_indirect_dma source(%arg13 : memref<128x64xf32, #tpu.memory_space<vmem>>) target(%dma_start3A_199 : memref<10000x64xf32, #tpu.memory_space<vmem_shared>>) offsets(%dma_start3A_196 : memref<128xi32, #tpu.memory_space<vmem>>) semaphore(%arg30 : memref<!tpu.dma_semaphore, #tpu.memory_space<semaphore_mem>>) {add = true}
          %rem3A_200 = arith.constant 2 : i32
          %rem3A_201 = arith.remsi %sub3A_193, %rem3A_200 : i32
          %eq3A_202 = arith.cmpi eq, %rem3A_201, %arg0 : i32
          %convert_element_type3A_203 = arith.extui %eq3A_202 : i1 to i32
          %cond3A_204 = arith.constant 0 : i32
          %cond3A_205 = arith.cmpi ne, %convert_element_type3A_203, %cond3A_204 : i32
          scf.if %cond3A_205 {
            %dma_start3A_206 = arith.constant 1 : i32
            %dma_start3A_207 = arith.constant 0 : i32
            %dma_start3A_208 = tpu.memref_slice %arg17[%dma_start3A_206, %dma_start3A_207] : memref<2x128xi32, #tpu.memory_space<vmem>> -> memref<1x128xi32, #tpu.memory_space<vmem>>
            %dma_start3A_209 = tpu.memref_squeeze %dma_start3A_208 : memref<1x128xi32, #tpu.memory_space<vmem>> -> memref<128xi32, #tpu.memory_space<vmem>>
            %dma_start3A_210 = arith.constant 0 : i32
            %dma_start3A_211 = tpu.memref_slice %arg12[%dma_start3A_210] : memref<10000xf32, #tpu.memory_space<vmem_shared>> -> memref<10000xf32, #tpu.memory_space<vmem_shared>>
            tpu.enqueue_indirect_dma source(%arg21 : memref<128xf32, #tpu.memory_space<vmem>>) target(%dma_start3A_211 : memref<10000xf32, #tpu.memory_space<vmem_shared>>) offsets(%dma_start3A_209 : memref<128xi32, #tpu.memory_space<vmem>>) semaphore(%arg30 : memref<!tpu.dma_semaphore, #tpu.memory_space<semaphore_mem>>) {add = true}
          } else {
          }
        } else {
        }
        %add3A_177 = arith.constant 1 : i32
        %add3A_178 = arith.addi %add3A_149, %add3A_177 : i32
        %lt3A = arith.cmpi slt, %add3A_178, %select_n3A : i32
        %convert_element_type3A_179 = arith.extui %lt3A : i1 to i32
        %cond3A_180 = arith.constant 0 : i32
        %cond3A_181 = arith.cmpi ne, %convert_element_type3A_179, %cond3A_180 : i32
        scf.if %cond3A_181 {
          %ge3A_186 = arith.constant 3 : i32
          %ge3A_187 = arith.cmpi sge, %add3A_149, %ge3A_186 : i32
          %convert_element_type3A_188 = arith.extui %ge3A_187 : i1 to i32
          %cond3A_189 = arith.constant 0 : i32
          %cond3A_190 = arith.cmpi ne, %convert_element_type3A_188, %cond3A_189 : i32
          scf.if %cond3A_190 {
            %sub3A_207 = arith.constant 3 : i32
            %sub3A_208 = arith.subi %add3A_149, %sub3A_207 : i32
            %dma_wait3A = arith.constant 1 : i32
            %dma_wait3A_209 = arith.constant 0 : i32
            %dma_wait3A_210 = tpu.memref_slice %arg19[%dma_wait3A, %dma_wait3A_209] : memref<2x128xi32, #tpu.memory_space<vmem>> -> memref<1x128xi32, #tpu.memory_space<vmem>>
            %dma_wait3A_211 = tpu.memref_squeeze %dma_wait3A_210 : memref<1x128xi32, #tpu.memory_space<vmem>> -> memref<128xi32, #tpu.memory_space<vmem>>
            %dma_wait3A_212 = arith.constant 0 : i32
            %dma_wait3A_213 = arith.constant 0 : i32
            %dma_wait3A_214 = tpu.memref_slice %arg11[%dma_wait3A_212, %dma_wait3A_213] : memref<10000x64xf32, #tpu.memory_space<vmem_shared>> -> memref<10000x64xf32, #tpu.memory_space<vmem_shared>>
            tpu.wait_indirect_dma semaphore(%arg32 : memref<!tpu.dma_semaphore, #tpu.memory_space<semaphore_mem>>) src(%arg15 : memref<128x64xf32, #tpu.memory_space<vmem>>) dst(%dma_wait3A_214 : memref<10000x64xf32, #tpu.memory_space<vmem_shared>>)
            %rem3A_215 = arith.constant 2 : i32
            %rem3A_216 = arith.remsi %sub3A_208, %rem3A_215 : i32
            %eq3A_217 = arith.cmpi eq, %rem3A_216, %arg0 : i32
            %convert_element_type3A_218 = arith.extui %eq3A_217 : i1 to i32
            %cond3A_219 = arith.constant 0 : i32
            %cond3A_220 = arith.cmpi ne, %convert_element_type3A_218, %cond3A_219 : i32
            scf.if %cond3A_220 {
              %dma_wait3A_221 = arith.constant 1 : i32
              %dma_wait3A_222 = arith.constant 0 : i32
              %dma_wait3A_223 = tpu.memref_slice %arg19[%dma_wait3A_221, %dma_wait3A_222] : memref<2x128xi32, #tpu.memory_space<vmem>> -> memref<1x128xi32, #tpu.memory_space<vmem>>
              %dma_wait3A_224 = tpu.memref_squeeze %dma_wait3A_223 : memref<1x128xi32, #tpu.memory_space<vmem>> -> memref<128xi32, #tpu.memory_space<vmem>>
              %dma_wait3A_225 = arith.constant 0 : i32
              %dma_wait3A_226 = tpu.memref_slice %arg12[%dma_wait3A_225] : memref<10000xf32, #tpu.memory_space<vmem_shared>> -> memref<10000xf32, #tpu.memory_space<vmem_shared>>
              tpu.wait_indirect_dma semaphore(%arg32 : memref<!tpu.dma_semaphore, #tpu.memory_space<semaphore_mem>>) src(%arg21 : memref<128xf32, #tpu.memory_space<vmem>>) dst(%dma_wait3A_226 : memref<10000xf32, #tpu.memory_space<vmem_shared>>)
            } else {
            }
          } else {
          }
          %add3A_191 = arith.constant 1 : i32
          %add3A_192 = arith.addi %add3A_149, %add3A_191 : i32
          %mul3A_193 = arith.constant 16 : i32
          %mul3A_194 = arith.muli %add3A_192, %mul3A_193 : i32
          %add3A_195 = arith.addi %arg1, %mul3A_194 : i32
          %mul3A_196 = arith.constant 128 : i32
          %mul3A_197 = arith.muli %add3A_195, %mul3A_196 : i32
          %dma_start3A = arith.constant 0 : i32
          %dma_start3A_198 = arith.constant 0 : i32
          %dma_start3A_199 = tpu.memref_slice %arg4[%dma_start3A, %add3A_195, %dma_start3A_198] : memref<2x2500x128xi32, #tpu.memory_space<hbm>> -> memref<2x1x128xi32, #tpu.memory_space<hbm>>
          %dma_start3A_200 = tpu.memref_squeeze %dma_start3A_199 : memref<2x1x128xi32, #tpu.memory_space<hbm>> -> memref<2x128xi32, #tpu.memory_space<hbm>>
          %dma_start3A_201 = arith.constant 0 : i32
          %dma_start3A_202 = arith.constant 0 : i32
          %dma_start3A_203 = tpu.memref_slice %arg4[%dma_start3A_201, %add3A_195, %dma_start3A_202] : memref<2x2500x128xi32, #tpu.memory_space<hbm>> -> memref<2x1x128xi32, #tpu.memory_space<hbm>>
          %dma_start3A_204 = tpu.memref_squeeze %dma_start3A_203 : memref<2x1x128xi32, #tpu.memory_space<hbm>> -> memref<2x128xi32, #tpu.memory_space<hbm>>
          tpu.enqueue_dma source(%dma_start3A_204 : memref<2x128xi32, #tpu.memory_space<hbm>>) target(%arg19 : memref<2x128xi32, #tpu.memory_space<vmem>>) target_semaphore(%arg24 : memref<!tpu.dma_semaphore, #tpu.memory_space<semaphore_mem>>)
          %dma_start3A_205 = tpu.memref_slice %arg3[%mul3A_197, %mul3A_0] : memref<320000x128xf32, #tpu.memory_space<hbm>> -> memref<128x64xf32, #tpu.memory_space<hbm>>
          %dma_start3A_206 = tpu.memref_slice %arg3[%mul3A_197, %mul3A_0] : memref<320000x128xf32, #tpu.memory_space<hbm>> -> memref<128x64xf32, #tpu.memory_space<hbm>>
          tpu.enqueue_dma source(%dma_start3A_206 : memref<128x64xf32, #tpu.memory_space<hbm>>) target(%arg15 : memref<128x64xf32, #tpu.memory_space<vmem>>) target_semaphore(%arg24 : memref<!tpu.dma_semaphore, #tpu.memory_space<semaphore_mem>>)
        } else {
        }
        %lt3A_182 = arith.cmpi slt, %add3A_149, %select_n3A : i32
        %convert_element_type3A_183 = arith.extui %lt3A_182 : i1 to i32
        %cond3A_184 = arith.constant 0 : i32
        %cond3A_185 = arith.cmpi ne, %convert_element_type3A_183, %cond3A_184 : i32
        scf.if %cond3A_185 {
          %mul3A_186 = arith.constant 16 : i32
          %mul3A_187 = arith.muli %add3A_149, %mul3A_186 : i32
          %add3A_188 = arith.addi %arg1, %mul3A_187 : i32
          %mul3A_189 = arith.constant 128 : i32
          %mul3A_190 = arith.muli %add3A_188, %mul3A_189 : i32
          %dma_wait3A = arith.constant 0 : i32
          %dma_wait3A_191 = arith.constant 0 : i32
          %dma_wait3A_192 = tpu.memref_slice %arg4[%dma_wait3A, %add3A_188, %dma_wait3A_191] : memref<2x2500x128xi32, #tpu.memory_space<hbm>> -> memref<2x1x128xi32, #tpu.memory_space<hbm>>
          %dma_wait3A_193 = tpu.memref_squeeze %dma_wait3A_192 : memref<2x1x128xi32, #tpu.memory_space<hbm>> -> memref<2x128xi32, #tpu.memory_space<hbm>>
          %dma_wait3A_194 = arith.constant 0 : i32
          %dma_wait3A_195 = arith.constant 0 : i32
          %dma_wait3A_196 = tpu.memref_slice %arg4[%dma_wait3A_194, %add3A_188, %dma_wait3A_195] : memref<2x2500x128xi32, #tpu.memory_space<hbm>> -> memref<2x1x128xi32, #tpu.memory_space<hbm>>
          %dma_wait3A_197 = tpu.memref_squeeze %dma_wait3A_196 : memref<2x1x128xi32, #tpu.memory_space<hbm>> -> memref<2x128xi32, #tpu.memory_space<hbm>>
          tpu.wait_dma2 semaphore(%arg23 : memref<!tpu.dma_semaphore, #tpu.memory_space<semaphore_mem>>) src(%dma_wait3A_197 : memref<2x128xi32, #tpu.memory_space<hbm>>) dst(%arg18 : memref<2x128xi32, #tpu.memory_space<vmem>>)
          %dma_wait3A_198 = tpu.memref_slice %arg3[%mul3A_190, %mul3A_0] : memref<320000x128xf32, #tpu.memory_space<hbm>> -> memref<128x64xf32, #tpu.memory_space<hbm>>
          %dma_wait3A_199 = tpu.memref_slice %arg3[%mul3A_190, %mul3A_0] : memref<320000x128xf32, #tpu.memory_space<hbm>> -> memref<128x64xf32, #tpu.memory_space<hbm>>
          tpu.wait_dma2 semaphore(%arg23 : memref<!tpu.dma_semaphore, #tpu.memory_space<semaphore_mem>>) src(%dma_wait3A_199 : memref<128x64xf32, #tpu.memory_space<hbm>>) dst(%arg14 : memref<128x64xf32, #tpu.memory_space<vmem>>)
          %dma_start3A = arith.constant 0 : i32
          %dma_start3A_200 = arith.constant 0 : i32
          %dma_start3A_201 = tpu.memref_slice %arg18[%dma_start3A, %dma_start3A_200] : memref<2x128xi32, #tpu.memory_space<vmem>> -> memref<1x128xi32, #tpu.memory_space<vmem>>
          %dma_start3A_202 = tpu.memref_squeeze %dma_start3A_201 : memref<1x128xi32, #tpu.memory_space<vmem>> -> memref<128xi32, #tpu.memory_space<vmem>>
          %dma_start3A_203 = arith.constant 0 : i32
          %dma_start3A_204 = arith.constant 0 : i32
          %dma_start3A_205 = tpu.memref_slice %arg10[%dma_start3A_203, %dma_start3A_204] : memref<10000x64xf32, #tpu.memory_space<vmem_shared>> -> memref<10000x64xf32, #tpu.memory_space<vmem_shared>>
          tpu.enqueue_indirect_dma source(%dma_start3A_205 : memref<10000x64xf32, #tpu.memory_space<vmem_shared>>) target(%arg14 : memref<128x64xf32, #tpu.memory_space<vmem>>) offsets(%dma_start3A_202 : memref<128xi32, #tpu.memory_space<vmem>>) semaphore(%arg27 : memref<!tpu.dma_semaphore, #tpu.memory_space<semaphore_mem>>) {add = true}
        } else {
        }
      } else {
      }
      %mul3A_154 = arith.constant 4 : i32
      %mul3A_155 = arith.muli %while3A_138, %mul3A_154 : i32
      %add3A_156 = arith.constant 2 : i32
      %add3A_157 = arith.addi %mul3A_155, %add3A_156 : i32
      %le3A_158 = arith.cmpi sle, %add3A_157, %select_n3A : i32
      %convert_element_type3A_159 = arith.extui %le3A_158 : i1 to i32
      %cond3A_160 = arith.constant 0 : i32
      %cond3A_161 = arith.cmpi ne, %convert_element_type3A_159, %cond3A_160 : i32
      scf.if %cond3A_161 {
        %ge3A_170 = arith.constant 1 : i32
        %ge3A_171 = arith.cmpi sge, %add3A_157, %ge3A_170 : i32
        %le3A_172 = arith.cmpi sle, %add3A_157, %select_n3A : i32
        %and3A_173 = arith.andi %ge3A_171, %le3A_172 : i1
        %convert_element_type3A_174 = arith.extui %and3A_173 : i1 to i32
        %cond3A_175 = arith.constant 0 : i32
        %cond3A_176 = arith.cmpi ne, %convert_element_type3A_174, %cond3A_175 : i32
        scf.if %cond3A_176 {
          %dma_wait3A = arith.constant 0 : i32
          %dma_wait3A_186 = arith.constant 0 : i32
          %dma_wait3A_187 = tpu.memref_slice %arg18[%dma_wait3A, %dma_wait3A_186] : memref<2x128xi32, #tpu.memory_space<vmem>> -> memref<1x128xi32, #tpu.memory_space<vmem>>
          %dma_wait3A_188 = tpu.memref_squeeze %dma_wait3A_187 : memref<1x128xi32, #tpu.memory_space<vmem>> -> memref<128xi32, #tpu.memory_space<vmem>>
          %dma_wait3A_189 = arith.constant 0 : i32
          %dma_wait3A_190 = arith.constant 0 : i32
          %dma_wait3A_191 = tpu.memref_slice %arg10[%dma_wait3A_189, %dma_wait3A_190] : memref<10000x64xf32, #tpu.memory_space<vmem_shared>> -> memref<10000x64xf32, #tpu.memory_space<vmem_shared>>
          tpu.wait_indirect_dma semaphore(%arg27 : memref<!tpu.dma_semaphore, #tpu.memory_space<semaphore_mem>>) src(%dma_wait3A_191 : memref<10000x64xf32, #tpu.memory_space<vmem_shared>>) dst(%arg14 : memref<128x64xf32, #tpu.memory_space<vmem>>)
          %sub3A_192 = arith.constant 1 : i32
          %sub3A_193 = arith.subi %add3A_157, %sub3A_192 : i32
          %dma_start3A = arith.constant 1 : i32
          %dma_start3A_194 = arith.constant 0 : i32
          %dma_start3A_195 = tpu.memref_slice %arg18[%dma_start3A, %dma_start3A_194] : memref<2x128xi32, #tpu.memory_space<vmem>> -> memref<1x128xi32, #tpu.memory_space<vmem>>
          %dma_start3A_196 = tpu.memref_squeeze %dma_start3A_195 : memref<1x128xi32, #tpu.memory_space<vmem>> -> memref<128xi32, #tpu.memory_space<vmem>>
          %dma_start3A_197 = arith.constant 0 : i32
          %dma_start3A_198 = arith.constant 0 : i32
          %dma_start3A_199 = tpu.memref_slice %arg11[%dma_start3A_197, %dma_start3A_198] : memref<10000x64xf32, #tpu.memory_space<vmem_shared>> -> memref<10000x64xf32, #tpu.memory_space<vmem_shared>>
          tpu.enqueue_indirect_dma source(%arg14 : memref<128x64xf32, #tpu.memory_space<vmem>>) target(%dma_start3A_199 : memref<10000x64xf32, #tpu.memory_space<vmem_shared>>) offsets(%dma_start3A_196 : memref<128xi32, #tpu.memory_space<vmem>>) semaphore(%arg31 : memref<!tpu.dma_semaphore, #tpu.memory_space<semaphore_mem>>) {add = true}
          %rem3A_200 = arith.constant 2 : i32
          %rem3A_201 = arith.remsi %sub3A_193, %rem3A_200 : i32
          %eq3A_202 = arith.cmpi eq, %rem3A_201, %arg0 : i32
          %convert_element_type3A_203 = arith.extui %eq3A_202 : i1 to i32
          %cond3A_204 = arith.constant 0 : i32
          %cond3A_205 = arith.cmpi ne, %convert_element_type3A_203, %cond3A_204 : i32
          scf.if %cond3A_205 {
            %dma_start3A_206 = arith.constant 1 : i32
            %dma_start3A_207 = arith.constant 0 : i32
            %dma_start3A_208 = tpu.memref_slice %arg18[%dma_start3A_206, %dma_start3A_207] : memref<2x128xi32, #tpu.memory_space<vmem>> -> memref<1x128xi32, #tpu.memory_space<vmem>>
            %dma_start3A_209 = tpu.memref_squeeze %dma_start3A_208 : memref<1x128xi32, #tpu.memory_space<vmem>> -> memref<128xi32, #tpu.memory_space<vmem>>
            %dma_start3A_210 = arith.constant 0 : i32
            %dma_start3A_211 = tpu.memref_slice %arg12[%dma_start3A_210] : memref<10000xf32, #tpu.memory_space<vmem_shared>> -> memref<10000xf32, #tpu.memory_space<vmem_shared>>
            tpu.enqueue_indirect_dma source(%arg21 : memref<128xf32, #tpu.memory_space<vmem>>) target(%dma_start3A_211 : memref<10000xf32, #tpu.memory_space<vmem_shared>>) offsets(%dma_start3A_209 : memref<128xi32, #tpu.memory_space<vmem>>) semaphore(%arg31 : memref<!tpu.dma_semaphore, #tpu.memory_space<semaphore_mem>>) {add = true}
          } else {
          }
        } else {
        }
        %add3A_177 = arith.constant 1 : i32
        %add3A_178 = arith.addi %add3A_157, %add3A_177 : i32
        %lt3A = arith.cmpi slt, %add3A_178, %select_n3A : i32
        %convert_element_type3A_179 = arith.extui %lt3A : i1 to i32
        %cond3A_180 = arith.constant 0 : i32
        %cond3A_181 = arith.cmpi ne, %convert_element_type3A_179, %cond3A_180 : i32
        scf.if %cond3A_181 {
          %ge3A_186 = arith.constant 3 : i32
          %ge3A_187 = arith.cmpi sge, %add3A_157, %ge3A_186 : i32
          %convert_element_type3A_188 = arith.extui %ge3A_187 : i1 to i32
          %cond3A_189 = arith.constant 0 : i32
          %cond3A_190 = arith.cmpi ne, %convert_element_type3A_188, %cond3A_189 : i32
          scf.if %cond3A_190 {
            %sub3A_207 = arith.constant 3 : i32
            %sub3A_208 = arith.subi %add3A_157, %sub3A_207 : i32
            %dma_wait3A = arith.constant 1 : i32
            %dma_wait3A_209 = arith.constant 0 : i32
            %dma_wait3A_210 = tpu.memref_slice %arg20[%dma_wait3A, %dma_wait3A_209] : memref<2x128xi32, #tpu.memory_space<vmem>> -> memref<1x128xi32, #tpu.memory_space<vmem>>
            %dma_wait3A_211 = tpu.memref_squeeze %dma_wait3A_210 : memref<1x128xi32, #tpu.memory_space<vmem>> -> memref<128xi32, #tpu.memory_space<vmem>>
            %dma_wait3A_212 = arith.constant 0 : i32
            %dma_wait3A_213 = arith.constant 0 : i32
            %dma_wait3A_214 = tpu.memref_slice %arg11[%dma_wait3A_212, %dma_wait3A_213] : memref<10000x64xf32, #tpu.memory_space<vmem_shared>> -> memref<10000x64xf32, #tpu.memory_space<vmem_shared>>
            tpu.wait_indirect_dma semaphore(%arg33 : memref<!tpu.dma_semaphore, #tpu.memory_space<semaphore_mem>>) src(%arg16 : memref<128x64xf32, #tpu.memory_space<vmem>>) dst(%dma_wait3A_214 : memref<10000x64xf32, #tpu.memory_space<vmem_shared>>)
            %rem3A_215 = arith.constant 2 : i32
            %rem3A_216 = arith.remsi %sub3A_208, %rem3A_215 : i32
            %eq3A_217 = arith.cmpi eq, %rem3A_216, %arg0 : i32
            %convert_element_type3A_218 = arith.extui %eq3A_217 : i1 to i32
            %cond3A_219 = arith.constant 0 : i32
            %cond3A_220 = arith.cmpi ne, %convert_element_type3A_218, %cond3A_219 : i32
            scf.if %cond3A_220 {
              %dma_wait3A_221 = arith.constant 1 : i32
              %dma_wait3A_222 = arith.constant 0 : i32
              %dma_wait3A_223 = tpu.memref_slice %arg20[%dma_wait3A_221, %dma_wait3A_222] : memref<2x128xi32, #tpu.memory_space<vmem>> -> memref<1x128xi32, #tpu.memory_space<vmem>>
              %dma_wait3A_224 = tpu.memref_squeeze %dma_wait3A_223 : memref<1x128xi32, #tpu.memory_space<vmem>> -> memref<128xi32, #tpu.memory_space<vmem>>
              %dma_wait3A_225 = arith.constant 0 : i32
              %dma_wait3A_226 = tpu.memref_slice %arg12[%dma_wait3A_225] : memref<10000xf32, #tpu.memory_space<vmem_shared>> -> memref<10000xf32, #tpu.memory_space<vmem_shared>>
              tpu.wait_indirect_dma semaphore(%arg33 : memref<!tpu.dma_semaphore, #tpu.memory_space<semaphore_mem>>) src(%arg21 : memref<128xf32, #tpu.memory_space<vmem>>) dst(%dma_wait3A_226 : memref<10000xf32, #tpu.memory_space<vmem_shared>>)
            } else {
            }
          } else {
          }
          %add3A_191 = arith.constant 1 : i32
          %add3A_192 = arith.addi %add3A_157, %add3A_191 : i32
          %mul3A_193 = arith.constant 16 : i32
          %mul3A_194 = arith.muli %add3A_192, %mul3A_193 : i32
          %add3A_195 = arith.addi %arg1, %mul3A_194 : i32
          %mul3A_196 = arith.constant 128 : i32
          %mul3A_197 = arith.muli %add3A_195, %mul3A_196 : i32
          %dma_start3A = arith.constant 0 : i32
          %dma_start3A_198 = arith.constant 0 : i32
          %dma_start3A_199 = tpu.memref_slice %arg4[%dma_start3A, %add3A_195, %dma_start3A_198] : memref<2x2500x128xi32, #tpu.memory_space<hbm>> -> memref<2x1x128xi32, #tpu.memory_space<hbm>>
          %dma_start3A_200 = tpu.memref_squeeze %dma_start3A_199 : memref<2x1x128xi32, #tpu.memory_space<hbm>> -> memref<2x128xi32, #tpu.memory_space<hbm>>
          %dma_start3A_201 = arith.constant 0 : i32
          %dma_start3A_202 = arith.constant 0 : i32
          %dma_start3A_203 = tpu.memref_slice %arg4[%dma_start3A_201, %add3A_195, %dma_start3A_202] : memref<2x2500x128xi32, #tpu.memory_space<hbm>> -> memref<2x1x128xi32, #tpu.memory_space<hbm>>
          %dma_start3A_204 = tpu.memref_squeeze %dma_start3A_203 : memref<2x1x128xi32, #tpu.memory_space<hbm>> -> memref<2x128xi32, #tpu.memory_space<hbm>>
          tpu.enqueue_dma source(%dma_start3A_204 : memref<2x128xi32, #tpu.memory_space<hbm>>) target(%arg20 : memref<2x128xi32, #tpu.memory_space<vmem>>) target_semaphore(%arg25 : memref<!tpu.dma_semaphore, #tpu.memory_space<semaphore_mem>>)
          %dma_start3A_205 = tpu.memref_slice %arg3[%mul3A_197, %mul3A_0] : memref<320000x128xf32, #tpu.memory_space<hbm>> -> memref<128x64xf32, #tpu.memory_space<hbm>>
          %dma_start3A_206 = tpu.memref_slice %arg3[%mul3A_197, %mul3A_0] : memref<320000x128xf32, #tpu.memory_space<hbm>> -> memref<128x64xf32, #tpu.memory_space<hbm>>
          tpu.enqueue_dma source(%dma_start3A_206 : memref<128x64xf32, #tpu.memory_space<hbm>>) target(%arg16 : memref<128x64xf32, #tpu.memory_space<vmem>>) target_semaphore(%arg25 : memref<!tpu.dma_semaphore, #tpu.memory_space<semaphore_mem>>)
        } else {
        }
        %lt3A_182 = arith.cmpi slt, %add3A_157, %select_n3A : i32
        %convert_element_type3A_183 = arith.extui %lt3A_182 : i1 to i32
        %cond3A_184 = arith.constant 0 : i32
        %cond3A_185 = arith.cmpi ne, %convert_element_type3A_183, %cond3A_184 : i32
        scf.if %cond3A_185 {
          %mul3A_186 = arith.constant 16 : i32
          %mul3A_187 = arith.muli %add3A_157, %mul3A_186 : i32
          %add3A_188 = arith.addi %arg1, %mul3A_187 : i32
          %mul3A_189 = arith.constant 128 : i32
          %mul3A_190 = arith.muli %add3A_188, %mul3A_189 : i32
          %dma_wait3A = arith.constant 0 : i32
          %dma_wait3A_191 = arith.constant 0 : i32
          %dma_wait3A_192 = tpu.memref_slice %arg4[%dma_wait3A, %add3A_188, %dma_wait3A_191] : memref<2x2500x128xi32, #tpu.memory_space<hbm>> -> memref<2x1x128xi32, #tpu.memory_space<hbm>>
          %dma_wait3A_193 = tpu.memref_squeeze %dma_wait3A_192 : memref<2x1x128xi32, #tpu.memory_space<hbm>> -> memref<2x128xi32, #tpu.memory_space<hbm>>
          %dma_wait3A_194 = arith.constant 0 : i32
          %dma_wait3A_195 = arith.constant 0 : i32
          %dma_wait3A_196 = tpu.memref_slice %arg4[%dma_wait3A_194, %add3A_188, %dma_wait3A_195] : memref<2x2500x128xi32, #tpu.memory_space<hbm>> -> memref<2x1x128xi32, #tpu.memory_space<hbm>>
          %dma_wait3A_197 = tpu.memref_squeeze %dma_wait3A_196 : memref<2x1x128xi32, #tpu.memory_space<hbm>> -> memref<2x128xi32, #tpu.memory_space<hbm>>
          tpu.wait_dma2 semaphore(%arg24 : memref<!tpu.dma_semaphore, #tpu.memory_space<semaphore_mem>>) src(%dma_wait3A_197 : memref<2x128xi32, #tpu.memory_space<hbm>>) dst(%arg19 : memref<2x128xi32, #tpu.memory_space<vmem>>)
          %dma_wait3A_198 = tpu.memref_slice %arg3[%mul3A_190, %mul3A_0] : memref<320000x128xf32, #tpu.memory_space<hbm>> -> memref<128x64xf32, #tpu.memory_space<hbm>>
          %dma_wait3A_199 = tpu.memref_slice %arg3[%mul3A_190, %mul3A_0] : memref<320000x128xf32, #tpu.memory_space<hbm>> -> memref<128x64xf32, #tpu.memory_space<hbm>>
          tpu.wait_dma2 semaphore(%arg24 : memref<!tpu.dma_semaphore, #tpu.memory_space<semaphore_mem>>) src(%dma_wait3A_199 : memref<128x64xf32, #tpu.memory_space<hbm>>) dst(%arg15 : memref<128x64xf32, #tpu.memory_space<vmem>>)
          %dma_start3A = arith.constant 0 : i32
          %dma_start3A_200 = arith.constant 0 : i32
          %dma_start3A_201 = tpu.memref_slice %arg19[%dma_start3A, %dma_start3A_200] : memref<2x128xi32, #tpu.memory_space<vmem>> -> memref<1x128xi32, #tpu.memory_space<vmem>>
          %dma_start3A_202 = tpu.memref_squeeze %dma_start3A_201 : memref<1x128xi32, #tpu.memory_space<vmem>> -> memref<128xi32, #tpu.memory_space<vmem>>
          %dma_start3A_203 = arith.constant 0 : i32
          %dma_start3A_204 = arith.constant 0 : i32
          %dma_start3A_205 = tpu.memref_slice %arg10[%dma_start3A_203, %dma_start3A_204] : memref<10000x64xf32, #tpu.memory_space<vmem_shared>> -> memref<10000x64xf32, #tpu.memory_space<vmem_shared>>
          tpu.enqueue_indirect_dma source(%dma_start3A_205 : memref<10000x64xf32, #tpu.memory_space<vmem_shared>>) target(%arg15 : memref<128x64xf32, #tpu.memory_space<vmem>>) offsets(%dma_start3A_202 : memref<128xi32, #tpu.memory_space<vmem>>) semaphore(%arg28 : memref<!tpu.dma_semaphore, #tpu.memory_space<semaphore_mem>>) {add = true}
        } else {
        }
      } else {
      }
      %mul3A_162 = arith.constant 4 : i32
      %mul3A_163 = arith.muli %while3A_138, %mul3A_162 : i32
      %add3A_164 = arith.constant 3 : i32
      %add3A_165 = arith.addi %mul3A_163, %add3A_164 : i32
      %le3A_166 = arith.cmpi sle, %add3A_165, %select_n3A : i32
      %convert_element_type3A_167 = arith.extui %le3A_166 : i1 to i32
      %cond3A_168 = arith.constant 0 : i32
      %cond3A_169 = arith.cmpi ne, %convert_element_type3A_167, %cond3A_168 : i32
      scf.if %cond3A_169 {
        %ge3A_170 = arith.constant 1 : i32
        %ge3A_171 = arith.cmpi sge, %add3A_165, %ge3A_170 : i32
        %le3A_172 = arith.cmpi sle, %add3A_165, %select_n3A : i32
        %and3A_173 = arith.andi %ge3A_171, %le3A_172 : i1
        %convert_element_type3A_174 = arith.extui %and3A_173 : i1 to i32
        %cond3A_175 = arith.constant 0 : i32
        %cond3A_176 = arith.cmpi ne, %convert_element_type3A_174, %cond3A_175 : i32
        scf.if %cond3A_176 {
          %dma_wait3A = arith.constant 0 : i32
          %dma_wait3A_186 = arith.constant 0 : i32
          %dma_wait3A_187 = tpu.memref_slice %arg19[%dma_wait3A, %dma_wait3A_186] : memref<2x128xi32, #tpu.memory_space<vmem>> -> memref<1x128xi32, #tpu.memory_space<vmem>>
          %dma_wait3A_188 = tpu.memref_squeeze %dma_wait3A_187 : memref<1x128xi32, #tpu.memory_space<vmem>> -> memref<128xi32, #tpu.memory_space<vmem>>
          %dma_wait3A_189 = arith.constant 0 : i32
          %dma_wait3A_190 = arith.constant 0 : i32
          %dma_wait3A_191 = tpu.memref_slice %arg10[%dma_wait3A_189, %dma_wait3A_190] : memref<10000x64xf32, #tpu.memory_space<vmem_shared>> -> memref<10000x64xf32, #tpu.memory_space<vmem_shared>>
          tpu.wait_indirect_dma semaphore(%arg28 : memref<!tpu.dma_semaphore, #tpu.memory_space<semaphore_mem>>) src(%dma_wait3A_191 : memref<10000x64xf32, #tpu.memory_space<vmem_shared>>) dst(%arg15 : memref<128x64xf32, #tpu.memory_space<vmem>>)
          %sub3A_192 = arith.constant 1 : i32
          %sub3A_193 = arith.subi %add3A_165, %sub3A_192 : i32
          %dma_start3A = arith.constant 1 : i32
          %dma_start3A_194 = arith.constant 0 : i32
          %dma_start3A_195 = tpu.memref_slice %arg19[%dma_start3A, %dma_start3A_194] : memref<2x128xi32, #tpu.memory_space<vmem>> -> memref<1x128xi32, #tpu.memory_space<vmem>>
          %dma_start3A_196 = tpu.memref_squeeze %dma_start3A_195 : memref<1x128xi32, #tpu.memory_space<vmem>> -> memref<128xi32, #tpu.memory_space<vmem>>
          %dma_start3A_197 = arith.constant 0 : i32
          %dma_start3A_198 = arith.constant 0 : i32
          %dma_start3A_199 = tpu.memref_slice %arg11[%dma_start3A_197, %dma_start3A_198] : memref<10000x64xf32, #tpu.memory_space<vmem_shared>> -> memref<10000x64xf32, #tpu.memory_space<vmem_shared>>
          tpu.enqueue_indirect_dma source(%arg15 : memref<128x64xf32, #tpu.memory_space<vmem>>) target(%dma_start3A_199 : memref<10000x64xf32, #tpu.memory_space<vmem_shared>>) offsets(%dma_start3A_196 : memref<128xi32, #tpu.memory_space<vmem>>) semaphore(%arg32 : memref<!tpu.dma_semaphore, #tpu.memory_space<semaphore_mem>>) {add = true}
          %rem3A_200 = arith.constant 2 : i32
          %rem3A_201 = arith.remsi %sub3A_193, %rem3A_200 : i32
          %eq3A_202 = arith.cmpi eq, %rem3A_201, %arg0 : i32
          %convert_element_type3A_203 = arith.extui %eq3A_202 : i1 to i32
          %cond3A_204 = arith.constant 0 : i32
          %cond3A_205 = arith.cmpi ne, %convert_element_type3A_203, %cond3A_204 : i32
          scf.if %cond3A_205 {
            %dma_start3A_206 = arith.constant 1 : i32
            %dma_start3A_207 = arith.constant 0 : i32
            %dma_start3A_208 = tpu.memref_slice %arg19[%dma_start3A_206, %dma_start3A_207] : memref<2x128xi32, #tpu.memory_space<vmem>> -> memref<1x128xi32, #tpu.memory_space<vmem>>
            %dma_start3A_209 = tpu.memref_squeeze %dma_start3A_208 : memref<1x128xi32, #tpu.memory_space<vmem>> -> memref<128xi32, #tpu.memory_space<vmem>>
            %dma_start3A_210 = arith.constant 0 : i32
            %dma_start3A_211 = tpu.memref_slice %arg12[%dma_start3A_210] : memref<10000xf32, #tpu.memory_space<vmem_shared>> -> memref<10000xf32, #tpu.memory_space<vmem_shared>>
            tpu.enqueue_indirect_dma source(%arg21 : memref<128xf32, #tpu.memory_space<vmem>>) target(%dma_start3A_211 : memref<10000xf32, #tpu.memory_space<vmem_shared>>) offsets(%dma_start3A_209 : memref<128xi32, #tpu.memory_space<vmem>>) semaphore(%arg32 : memref<!tpu.dma_semaphore, #tpu.memory_space<semaphore_mem>>) {add = true}
          } else {
          }
        } else {
        }
        %add3A_177 = arith.constant 1 : i32
        %add3A_178 = arith.addi %add3A_165, %add3A_177 : i32
        %lt3A = arith.cmpi slt, %add3A_178, %select_n3A : i32
        %convert_element_type3A_179 = arith.extui %lt3A : i1 to i32
        %cond3A_180 = arith.constant 0 : i32
        %cond3A_181 = arith.cmpi ne, %convert_element_type3A_179, %cond3A_180 : i32
        scf.if %cond3A_181 {
          %ge3A_186 = arith.constant 3 : i32
          %ge3A_187 = arith.cmpi sge, %add3A_165, %ge3A_186 : i32
          %convert_element_type3A_188 = arith.extui %ge3A_187 : i1 to i32
          %cond3A_189 = arith.constant 0 : i32
          %cond3A_190 = arith.cmpi ne, %convert_element_type3A_188, %cond3A_189 : i32
          scf.if %cond3A_190 {
            %sub3A_207 = arith.constant 3 : i32
            %sub3A_208 = arith.subi %add3A_165, %sub3A_207 : i32
            %dma_wait3A = arith.constant 1 : i32
            %dma_wait3A_209 = arith.constant 0 : i32
            %dma_wait3A_210 = tpu.memref_slice %arg17[%dma_wait3A, %dma_wait3A_209] : memref<2x128xi32, #tpu.memory_space<vmem>> -> memref<1x128xi32, #tpu.memory_space<vmem>>
            %dma_wait3A_211 = tpu.memref_squeeze %dma_wait3A_210 : memref<1x128xi32, #tpu.memory_space<vmem>> -> memref<128xi32, #tpu.memory_space<vmem>>
            %dma_wait3A_212 = arith.constant 0 : i32
            %dma_wait3A_213 = arith.constant 0 : i32
            %dma_wait3A_214 = tpu.memref_slice %arg11[%dma_wait3A_212, %dma_wait3A_213] : memref<10000x64xf32, #tpu.memory_space<vmem_shared>> -> memref<10000x64xf32, #tpu.memory_space<vmem_shared>>
            tpu.wait_indirect_dma semaphore(%arg30 : memref<!tpu.dma_semaphore, #tpu.memory_space<semaphore_mem>>) src(%arg13 : memref<128x64xf32, #tpu.memory_space<vmem>>) dst(%dma_wait3A_214 : memref<10000x64xf32, #tpu.memory_space<vmem_shared>>)
            %rem3A_215 = arith.constant 2 : i32
            %rem3A_216 = arith.remsi %sub3A_208, %rem3A_215 : i32
            %eq3A_217 = arith.cmpi eq, %rem3A_216, %arg0 : i32
            %convert_element_type3A_218 = arith.extui %eq3A_217 : i1 to i32
            %cond3A_219 = arith.constant 0 : i32
            %cond3A_220 = arith.cmpi ne, %convert_element_type3A_218, %cond3A_219 : i32
            scf.if %cond3A_220 {
              %dma_wait3A_221 = arith.constant 1 : i32
              %dma_wait3A_222 = arith.constant 0 : i32
              %dma_wait3A_223 = tpu.memref_slice %arg17[%dma_wait3A_221, %dma_wait3A_222] : memref<2x128xi32, #tpu.memory_space<vmem>> -> memref<1x128xi32, #tpu.memory_space<vmem>>
              %dma_wait3A_224 = tpu.memref_squeeze %dma_wait3A_223 : memref<1x128xi32, #tpu.memory_space<vmem>> -> memref<128xi32, #tpu.memory_space<vmem>>
              %dma_wait3A_225 = arith.constant 0 : i32
              %dma_wait3A_226 = tpu.memref_slice %arg12[%dma_wait3A_225] : memref<10000xf32, #tpu.memory_space<vmem_shared>> -> memref<10000xf32, #tpu.memory_space<vmem_shared>>
              tpu.wait_indirect_dma semaphore(%arg30 : memref<!tpu.dma_semaphore, #tpu.memory_space<semaphore_mem>>) src(%arg21 : memref<128xf32, #tpu.memory_space<vmem>>) dst(%dma_wait3A_226 : memref<10000xf32, #tpu.memory_space<vmem_shared>>)
            } else {
            }
          } else {
          }
          %add3A_191 = arith.constant 1 : i32
          %add3A_192 = arith.addi %add3A_165, %add3A_191 : i32
          %mul3A_193 = arith.constant 16 : i32
          %mul3A_194 = arith.muli %add3A_192, %mul3A_193 : i32
          %add3A_195 = arith.addi %arg1, %mul3A_194 : i32
          %mul3A_196 = arith.constant 128 : i32
          %mul3A_197 = arith.muli %add3A_195, %mul3A_196 : i32
          %dma_start3A = arith.constant 0 : i32
          %dma_start3A_198 = arith.constant 0 : i32
          %dma_start3A_199 = tpu.memref_slice %arg4[%dma_start3A, %add3A_195, %dma_start3A_198] : memref<2x2500x128xi32, #tpu.memory_space<hbm>> -> memref<2x1x128xi32, #tpu.memory_space<hbm>>
          %dma_start3A_200 = tpu.memref_squeeze %dma_start3A_199 : memref<2x1x128xi32, #tpu.memory_space<hbm>> -> memref<2x128xi32, #tpu.memory_space<hbm>>
          %dma_start3A_201 = arith.constant 0 : i32
          %dma_start3A_202 = arith.constant 0 : i32
          %dma_start3A_203 = tpu.memref_slice %arg4[%dma_start3A_201, %add3A_195, %dma_start3A_202] : memref<2x2500x128xi32, #tpu.memory_space<hbm>> -> memref<2x1x128xi32, #tpu.memory_space<hbm>>
          %dma_start3A_204 = tpu.memref_squeeze %dma_start3A_203 : memref<2x1x128xi32, #tpu.memory_space<hbm>> -> memref<2x128xi32, #tpu.memory_space<hbm>>
          tpu.enqueue_dma source(%dma_start3A_204 : memref<2x128xi32, #tpu.memory_space<hbm>>) target(%arg17 : memref<2x128xi32, #tpu.memory_space<vmem>>) target_semaphore(%arg22 : memref<!tpu.dma_semaphore, #tpu.memory_space<semaphore_mem>>)
          %dma_start3A_205 = tpu.memref_slice %arg3[%mul3A_197, %mul3A_0] : memref<320000x128xf32, #tpu.memory_space<hbm>> -> memref<128x64xf32, #tpu.memory_space<hbm>>
          %dma_start3A_206 = tpu.memref_slice %arg3[%mul3A_197, %mul3A_0] : memref<320000x128xf32, #tpu.memory_space<hbm>> -> memref<128x64xf32, #tpu.memory_space<hbm>>
          tpu.enqueue_dma source(%dma_start3A_206 : memref<128x64xf32, #tpu.memory_space<hbm>>) target(%arg13 : memref<128x64xf32, #tpu.memory_space<vmem>>) target_semaphore(%arg22 : memref<!tpu.dma_semaphore, #tpu.memory_space<semaphore_mem>>)
        } else {
        }
        %lt3A_182 = arith.cmpi slt, %add3A_165, %select_n3A : i32
        %convert_element_type3A_183 = arith.extui %lt3A_182 : i1 to i32
        %cond3A_184 = arith.constant 0 : i32
        %cond3A_185 = arith.cmpi ne, %convert_element_type3A_183, %cond3A_184 : i32
        scf.if %cond3A_185 {
          %mul3A_186 = arith.constant 16 : i32
          %mul3A_187 = arith.muli %add3A_165, %mul3A_186 : i32
          %add3A_188 = arith.addi %arg1, %mul3A_187 : i32
          %mul3A_189 = arith.constant 128 : i32
          %mul3A_190 = arith.muli %add3A_188, %mul3A_189 : i32
          %dma_wait3A = arith.constant 0 : i32
          %dma_wait3A_191 = arith.constant 0 : i32
          %dma_wait3A_192 = tpu.memref_slice %arg4[%dma_wait3A, %add3A_188, %dma_wait3A_191] : memref<2x2500x128xi32, #tpu.memory_space<hbm>> -> memref<2x1x128xi32, #tpu.memory_space<hbm>>
          %dma_wait3A_193 = tpu.memref_squeeze %dma_wait3A_192 : memref<2x1x128xi32, #tpu.memory_space<hbm>> -> memref<2x128xi32, #tpu.memory_space<hbm>>
          %dma_wait3A_194 = arith.constant 0 : i32
          %dma_wait3A_195 = arith.constant 0 : i32
          %dma_wait3A_196 = tpu.memref_slice %arg4[%dma_wait3A_194, %add3A_188, %dma_wait3A_195] : memref<2x2500x128xi32, #tpu.memory_space<hbm>> -> memref<2x1x128xi32, #tpu.memory_space<hbm>>
          %dma_wait3A_197 = tpu.memref_squeeze %dma_wait3A_196 : memref<2x1x128xi32, #tpu.memory_space<hbm>> -> memref<2x128xi32, #tpu.memory_space<hbm>>
          tpu.wait_dma2 semaphore(%arg25 : memref<!tpu.dma_semaphore, #tpu.memory_space<semaphore_mem>>) src(%dma_wait3A_197 : memref<2x128xi32, #tpu.memory_space<hbm>>) dst(%arg20 : memref<2x128xi32, #tpu.memory_space<vmem>>)
          %dma_wait3A_198 = tpu.memref_slice %arg3[%mul3A_190, %mul3A_0] : memref<320000x128xf32, #tpu.memory_space<hbm>> -> memref<128x64xf32, #tpu.memory_space<hbm>>
          %dma_wait3A_199 = tpu.memref_slice %arg3[%mul3A_190, %mul3A_0] : memref<320000x128xf32, #tpu.memory_space<hbm>> -> memref<128x64xf32, #tpu.memory_space<hbm>>
          tpu.wait_dma2 semaphore(%arg25 : memref<!tpu.dma_semaphore, #tpu.memory_space<semaphore_mem>>) src(%dma_wait3A_199 : memref<128x64xf32, #tpu.memory_space<hbm>>) dst(%arg16 : memref<128x64xf32, #tpu.memory_space<vmem>>)
          %dma_start3A = arith.constant 0 : i32
          %dma_start3A_200 = arith.constant 0 : i32
          %dma_start3A_201 = tpu.memref_slice %arg20[%dma_start3A, %dma_start3A_200] : memref<2x128xi32, #tpu.memory_space<vmem>> -> memref<1x128xi32, #tpu.memory_space<vmem>>
          %dma_start3A_202 = tpu.memref_squeeze %dma_start3A_201 : memref<1x128xi32, #tpu.memory_space<vmem>> -> memref<128xi32, #tpu.memory_space<vmem>>
          %dma_start3A_203 = arith.constant 0 : i32
          %dma_start3A_204 = arith.constant 0 : i32
          %dma_start3A_205 = tpu.memref_slice %arg10[%dma_start3A_203, %dma_start3A_204] : memref<10000x64xf32, #tpu.memory_space<vmem_shared>> -> memref<10000x64xf32, #tpu.memory_space<vmem_shared>>
          tpu.enqueue_indirect_dma source(%dma_start3A_205 : memref<10000x64xf32, #tpu.memory_space<vmem_shared>>) target(%arg16 : memref<128x64xf32, #tpu.memory_space<vmem>>) offsets(%dma_start3A_202 : memref<128xi32, #tpu.memory_space<vmem>>) semaphore(%arg29 : memref<!tpu.dma_semaphore, #tpu.memory_space<semaphore_mem>>) {add = true}
        } else {
        }
      } else {
      }
    }
    %while3A_68 = arith.constant 1 : i32
    scf.for %while3A_138 = %while3A_66 to %while3A_62 step %while3A_68  : i32 {
      %mul3A_139 = arith.constant 4 : i32
      %mul3A_140 = arith.muli %while3A_138, %mul3A_139 : i32
      %add3A_141 = arith.constant 0 : i32
      %add3A_142 = arith.addi %mul3A_140, %add3A_141 : i32
      %le3A = arith.cmpi sle, %add3A_142, %select_n3A : i32
      %convert_element_type3A_143 = arith.extui %le3A : i1 to i32
      %cond3A_144 = arith.constant 0 : i32
      %cond3A_145 = arith.cmpi ne, %convert_element_type3A_143, %cond3A_144 : i32
      scf.if %cond3A_145 {
        %ge3A_170 = arith.constant 1 : i32
        %ge3A_171 = arith.cmpi sge, %add3A_142, %ge3A_170 : i32
        %le3A_172 = arith.cmpi sle, %add3A_142, %select_n3A : i32
        %and3A_173 = arith.andi %ge3A_171, %le3A_172 : i1
        %convert_element_type3A_174 = arith.extui %and3A_173 : i1 to i32
        %cond3A_175 = arith.constant 0 : i32
        %cond3A_176 = arith.cmpi ne, %convert_element_type3A_174, %cond3A_175 : i32
        scf.if %cond3A_176 {
          %dma_wait3A = arith.constant 0 : i32
          %dma_wait3A_186 = arith.constant 0 : i32
          %dma_wait3A_187 = tpu.memref_slice %arg20[%dma_wait3A, %dma_wait3A_186] : memref<2x128xi32, #tpu.memory_space<vmem>> -> memref<1x128xi32, #tpu.memory_space<vmem>>
          %dma_wait3A_188 = tpu.memref_squeeze %dma_wait3A_187 : memref<1x128xi32, #tpu.memory_space<vmem>> -> memref<128xi32, #tpu.memory_space<vmem>>
          %dma_wait3A_189 = arith.constant 0 : i32
          %dma_wait3A_190 = arith.constant 0 : i32
          %dma_wait3A_191 = tpu.memref_slice %arg10[%dma_wait3A_189, %dma_wait3A_190] : memref<10000x64xf32, #tpu.memory_space<vmem_shared>> -> memref<10000x64xf32, #tpu.memory_space<vmem_shared>>
          tpu.wait_indirect_dma semaphore(%arg29 : memref<!tpu.dma_semaphore, #tpu.memory_space<semaphore_mem>>) src(%dma_wait3A_191 : memref<10000x64xf32, #tpu.memory_space<vmem_shared>>) dst(%arg16 : memref<128x64xf32, #tpu.memory_space<vmem>>)
          %sub3A_192 = arith.constant 1 : i32
          %sub3A_193 = arith.subi %add3A_142, %sub3A_192 : i32
          %dma_start3A = arith.constant 1 : i32
          %dma_start3A_194 = arith.constant 0 : i32
          %dma_start3A_195 = tpu.memref_slice %arg20[%dma_start3A, %dma_start3A_194] : memref<2x128xi32, #tpu.memory_space<vmem>> -> memref<1x128xi32, #tpu.memory_space<vmem>>
          %dma_start3A_196 = tpu.memref_squeeze %dma_start3A_195 : memref<1x128xi32, #tpu.memory_space<vmem>> -> memref<128xi32, #tpu.memory_space<vmem>>
          %dma_start3A_197 = arith.constant 0 : i32
          %dma_start3A_198 = arith.constant 0 : i32
          %dma_start3A_199 = tpu.memref_slice %arg11[%dma_start3A_197, %dma_start3A_198] : memref<10000x64xf32, #tpu.memory_space<vmem_shared>> -> memref<10000x64xf32, #tpu.memory_space<vmem_shared>>
          tpu.enqueue_indirect_dma source(%arg16 : memref<128x64xf32, #tpu.memory_space<vmem>>) target(%dma_start3A_199 : memref<10000x64xf32, #tpu.memory_space<vmem_shared>>) offsets(%dma_start3A_196 : memref<128xi32, #tpu.memory_space<vmem>>) semaphore(%arg33 : memref<!tpu.dma_semaphore, #tpu.memory_space<semaphore_mem>>) {add = true}
          %rem3A_200 = arith.constant 2 : i32
          %rem3A_201 = arith.remsi %sub3A_193, %rem3A_200 : i32
          %eq3A_202 = arith.cmpi eq, %rem3A_201, %arg0 : i32
          %convert_element_type3A_203 = arith.extui %eq3A_202 : i1 to i32
          %cond3A_204 = arith.constant 0 : i32
          %cond3A_205 = arith.cmpi ne, %convert_element_type3A_203, %cond3A_204 : i32
          scf.if %cond3A_205 {
            %dma_start3A_206 = arith.constant 1 : i32
            %dma_start3A_207 = arith.constant 0 : i32
            %dma_start3A_208 = tpu.memref_slice %arg20[%dma_start3A_206, %dma_start3A_207] : memref<2x128xi32, #tpu.memory_space<vmem>> -> memref<1x128xi32, #tpu.memory_space<vmem>>
            %dma_start3A_209 = tpu.memref_squeeze %dma_start3A_208 : memref<1x128xi32, #tpu.memory_space<vmem>> -> memref<128xi32, #tpu.memory_space<vmem>>
            %dma_start3A_210 = arith.constant 0 : i32
            %dma_start3A_211 = tpu.memref_slice %arg12[%dma_start3A_210] : memref<10000xf32, #tpu.memory_space<vmem_shared>> -> memref<10000xf32, #tpu.memory_space<vmem_shared>>
            tpu.enqueue_indirect_dma source(%arg21 : memref<128xf32, #tpu.memory_space<vmem>>) target(%dma_start3A_211 : memref<10000xf32, #tpu.memory_space<vmem_shared>>) offsets(%dma_start3A_209 : memref<128xi32, #tpu.memory_space<vmem>>) semaphore(%arg33 : memref<!tpu.dma_semaphore, #tpu.memory_space<semaphore_mem>>) {add = true}
          } else {
          }
        } else {
        }
        %add3A_177 = arith.constant 1 : i32
        %add3A_178 = arith.addi %add3A_142, %add3A_177 : i32
        %lt3A = arith.cmpi slt, %add3A_178, %select_n3A : i32
        %convert_element_type3A_179 = arith.extui %lt3A : i1 to i32
        %cond3A_180 = arith.constant 0 : i32
        %cond3A_181 = arith.cmpi ne, %convert_element_type3A_179, %cond3A_180 : i32
        scf.if %cond3A_181 {
          %ge3A_186 = arith.constant 3 : i32
          %ge3A_187 = arith.cmpi sge, %add3A_142, %ge3A_186 : i32
          %convert_element_type3A_188 = arith.extui %ge3A_187 : i1 to i32
          %cond3A_189 = arith.constant 0 : i32
          %cond3A_190 = arith.cmpi ne, %convert_element_type3A_188, %cond3A_189 : i32
          scf.if %cond3A_190 {
            %sub3A_207 = arith.constant 3 : i32
            %sub3A_208 = arith.subi %add3A_142, %sub3A_207 : i32
            %dma_wait3A = arith.constant 1 : i32
            %dma_wait3A_209 = arith.constant 0 : i32
            %dma_wait3A_210 = tpu.memref_slice %arg18[%dma_wait3A, %dma_wait3A_209] : memref<2x128xi32, #tpu.memory_space<vmem>> -> memref<1x128xi32, #tpu.memory_space<vmem>>
            %dma_wait3A_211 = tpu.memref_squeeze %dma_wait3A_210 : memref<1x128xi32, #tpu.memory_space<vmem>> -> memref<128xi32, #tpu.memory_space<vmem>>
            %dma_wait3A_212 = arith.constant 0 : i32
            %dma_wait3A_213 = arith.constant 0 : i32
            %dma_wait3A_214 = tpu.memref_slice %arg11[%dma_wait3A_212, %dma_wait3A_213] : memref<10000x64xf32, #tpu.memory_space<vmem_shared>> -> memref<10000x64xf32, #tpu.memory_space<vmem_shared>>
            tpu.wait_indirect_dma semaphore(%arg31 : memref<!tpu.dma_semaphore, #tpu.memory_space<semaphore_mem>>) src(%arg14 : memref<128x64xf32, #tpu.memory_space<vmem>>) dst(%dma_wait3A_214 : memref<10000x64xf32, #tpu.memory_space<vmem_shared>>)
            %rem3A_215 = arith.constant 2 : i32
            %rem3A_216 = arith.remsi %sub3A_208, %rem3A_215 : i32
            %eq3A_217 = arith.cmpi eq, %rem3A_216, %arg0 : i32
            %convert_element_type3A_218 = arith.extui %eq3A_217 : i1 to i32
            %cond3A_219 = arith.constant 0 : i32
            %cond3A_220 = arith.cmpi ne, %convert_element_type3A_218, %cond3A_219 : i32
            scf.if %cond3A_220 {
              %dma_wait3A_221 = arith.constant 1 : i32
              %dma_wait3A_222 = arith.constant 0 : i32
              %dma_wait3A_223 = tpu.memref_slice %arg18[%dma_wait3A_221, %dma_wait3A_222] : memref<2x128xi32, #tpu.memory_space<vmem>> -> memref<1x128xi32, #tpu.memory_space<vmem>>
              %dma_wait3A_224 = tpu.memref_squeeze %dma_wait3A_223 : memref<1x128xi32, #tpu.memory_space<vmem>> -> memref<128xi32, #tpu.memory_space<vmem>>
              %dma_wait3A_225 = arith.constant 0 : i32
              %dma_wait3A_226 = tpu.memref_slice %arg12[%dma_wait3A_225] : memref<10000xf32, #tpu.memory_space<vmem_shared>> -> memref<10000xf32, #tpu.memory_space<vmem_shared>>
              tpu.wait_indirect_dma semaphore(%arg31 : memref<!tpu.dma_semaphore, #tpu.memory_space<semaphore_mem>>) src(%arg21 : memref<128xf32, #tpu.memory_space<vmem>>) dst(%dma_wait3A_226 : memref<10000xf32, #tpu.memory_space<vmem_shared>>)
            } else {
            }
          } else {
          }
          %add3A_191 = arith.constant 1 : i32
          %add3A_192 = arith.addi %add3A_142, %add3A_191 : i32
          %mul3A_193 = arith.constant 16 : i32
          %mul3A_194 = arith.muli %add3A_192, %mul3A_193 : i32
          %add3A_195 = arith.addi %arg1, %mul3A_194 : i32
          %mul3A_196 = arith.constant 128 : i32
          %mul3A_197 = arith.muli %add3A_195, %mul3A_196 : i32
          %dma_start3A = arith.constant 0 : i32
          %dma_start3A_198 = arith.constant 0 : i32
          %dma_start3A_199 = tpu.memref_slice %arg4[%dma_start3A, %add3A_195, %dma_start3A_198] : memref<2x2500x128xi32, #tpu.memory_space<hbm>> -> memref<2x1x128xi32, #tpu.memory_space<hbm>>
          %dma_start3A_200 = tpu.memref_squeeze %dma_start3A_199 : memref<2x1x128xi32, #tpu.memory_space<hbm>> -> memref<2x128xi32, #tpu.memory_space<hbm>>
          %dma_start3A_201 = arith.constant 0 : i32
          %dma_start3A_202 = arith.constant 0 : i32
          %dma_start3A_203 = tpu.memref_slice %arg4[%dma_start3A_201, %add3A_195, %dma_start3A_202] : memref<2x2500x128xi32, #tpu.memory_space<hbm>> -> memref<2x1x128xi32, #tpu.memory_space<hbm>>
          %dma_start3A_204 = tpu.memref_squeeze %dma_start3A_203 : memref<2x1x128xi32, #tpu.memory_space<hbm>> -> memref<2x128xi32, #tpu.memory_space<hbm>>
          tpu.enqueue_dma source(%dma_start3A_204 : memref<2x128xi32, #tpu.memory_space<hbm>>) target(%arg18 : memref<2x128xi32, #tpu.memory_space<vmem>>) target_semaphore(%arg23 : memref<!tpu.dma_semaphore, #tpu.memory_space<semaphore_mem>>)
          %dma_start3A_205 = tpu.memref_slice %arg3[%mul3A_197, %mul3A_0] : memref<320000x128xf32, #tpu.memory_space<hbm>> -> memref<128x64xf32, #tpu.memory_space<hbm>>
          %dma_start3A_206 = tpu.memref_slice %arg3[%mul3A_197, %mul3A_0] : memref<320000x128xf32, #tpu.memory_space<hbm>> -> memref<128x64xf32, #tpu.memory_space<hbm>>
          tpu.enqueue_dma source(%dma_start3A_206 : memref<128x64xf32, #tpu.memory_space<hbm>>) target(%arg14 : memref<128x64xf32, #tpu.memory_space<vmem>>) target_semaphore(%arg23 : memref<!tpu.dma_semaphore, #tpu.memory_space<semaphore_mem>>)
        } else {
        }
        %lt3A_182 = arith.cmpi slt, %add3A_142, %select_n3A : i32
        %convert_element_type3A_183 = arith.extui %lt3A_182 : i1 to i32
        %cond3A_184 = arith.constant 0 : i32
        %cond3A_185 = arith.cmpi ne, %convert_element_type3A_183, %cond3A_184 : i32
        scf.if %cond3A_185 {
          %mul3A_186 = arith.constant 16 : i32
          %mul3A_187 = arith.muli %add3A_142, %mul3A_186 : i32
          %add3A_188 = arith.addi %arg1, %mul3A_187 : i32
          %mul3A_189 = arith.constant 128 : i32
          %mul3A_190 = arith.muli %add3A_188, %mul3A_189 : i32
          %dma_wait3A = arith.constant 0 : i32
          %dma_wait3A_191 = arith.constant 0 : i32
          %dma_wait3A_192 = tpu.memref_slice %arg4[%dma_wait3A, %add3A_188, %dma_wait3A_191] : memref<2x2500x128xi32, #tpu.memory_space<hbm>> -> memref<2x1x128xi32, #tpu.memory_space<hbm>>
          %dma_wait3A_193 = tpu.memref_squeeze %dma_wait3A_192 : memref<2x1x128xi32, #tpu.memory_space<hbm>> -> memref<2x128xi32, #tpu.memory_space<hbm>>
          %dma_wait3A_194 = arith.constant 0 : i32
          %dma_wait3A_195 = arith.constant 0 : i32
          %dma_wait3A_196 = tpu.memref_slice %arg4[%dma_wait3A_194, %add3A_188, %dma_wait3A_195] : memref<2x2500x128xi32, #tpu.memory_space<hbm>> -> memref<2x1x128xi32, #tpu.memory_space<hbm>>
          %dma_wait3A_197 = tpu.memref_squeeze %dma_wait3A_196 : memref<2x1x128xi32, #tpu.memory_space<hbm>> -> memref<2x128xi32, #tpu.memory_space<hbm>>
          tpu.wait_dma2 semaphore(%arg22 : memref<!tpu.dma_semaphore, #tpu.memory_space<semaphore_mem>>) src(%dma_wait3A_197 : memref<2x128xi32, #tpu.memory_space<hbm>>) dst(%arg17 : memref<2x128xi32, #tpu.memory_space<vmem>>)
          %dma_wait3A_198 = tpu.memref_slice %arg3[%mul3A_190, %mul3A_0] : memref<320000x128xf32, #tpu.memory_space<hbm>> -> memref<128x64xf32, #tpu.memory_space<hbm>>
          %dma_wait3A_199 = tpu.memref_slice %arg3[%mul3A_190, %mul3A_0] : memref<320000x128xf32, #tpu.memory_space<hbm>> -> memref<128x64xf32, #tpu.memory_space<hbm>>
          tpu.wait_dma2 semaphore(%arg22 : memref<!tpu.dma_semaphore, #tpu.memory_space<semaphore_mem>>) src(%dma_wait3A_199 : memref<128x64xf32, #tpu.memory_space<hbm>>) dst(%arg13 : memref<128x64xf32, #tpu.memory_space<vmem>>)
          %dma_start3A = arith.constant 0 : i32
          %dma_start3A_200 = arith.constant 0 : i32
          %dma_start3A_201 = tpu.memref_slice %arg17[%dma_start3A, %dma_start3A_200] : memref<2x128xi32, #tpu.memory_space<vmem>> -> memref<1x128xi32, #tpu.memory_space<vmem>>
          %dma_start3A_202 = tpu.memref_squeeze %dma_start3A_201 : memref<1x128xi32, #tpu.memory_space<vmem>> -> memref<128xi32, #tpu.memory_space<vmem>>
          %dma_start3A_203 = arith.constant 0 : i32
          %dma_start3A_204 = arith.constant 0 : i32
          %dma_start3A_205 = tpu.memref_slice %arg10[%dma_start3A_203, %dma_start3A_204] : memref<10000x64xf32, #tpu.memory_space<vmem_shared>> -> memref<10000x64xf32, #tpu.memory_space<vmem_shared>>
          tpu.enqueue_indirect_dma source(%dma_start3A_205 : memref<10000x64xf32, #tpu.memory_space<vmem_shared>>) target(%arg13 : memref<128x64xf32, #tpu.memory_space<vmem>>) offsets(%dma_start3A_202 : memref<128xi32, #tpu.memory_space<vmem>>) semaphore(%arg26 : memref<!tpu.dma_semaphore, #tpu.memory_space<semaphore_mem>>) {add = true}
        } else {
        }
      } else {
      }
      %mul3A_146 = arith.constant 4 : i32
      %mul3A_147 = arith.muli %while3A_138, %mul3A_146 : i32
      %add3A_148 = arith.constant 1 : i32
      %add3A_149 = arith.addi %mul3A_147, %add3A_148 : i32
      %le3A_150 = arith.cmpi sle, %add3A_149, %select_n3A : i32
      %convert_element_type3A_151 = arith.extui %le3A_150 : i1 to i32
      %cond3A_152 = arith.constant 0 : i32
      %cond3A_153 = arith.cmpi ne, %convert_element_type3A_151, %cond3A_152 : i32
      scf.if %cond3A_153 {
        %ge3A_170 = arith.constant 1 : i32
        %ge3A_171 = arith.cmpi sge, %add3A_149, %ge3A_170 : i32
        %le3A_172 = arith.cmpi sle, %add3A_149, %select_n3A : i32
        %and3A_173 = arith.andi %ge3A_171, %le3A_172 : i1
        %convert_element_type3A_174 = arith.extui %and3A_173 : i1 to i32
        %cond3A_175 = arith.constant 0 : i32
        %cond3A_176 = arith.cmpi ne, %convert_element_type3A_174, %cond3A_175 : i32
        scf.if %cond3A_176 {
          %dma_wait3A = arith.constant 0 : i32
          %dma_wait3A_186 = arith.constant 0 : i32
          %dma_wait3A_187 = tpu.memref_slice %arg17[%dma_wait3A, %dma_wait3A_186] : memref<2x128xi32, #tpu.memory_space<vmem>> -> memref<1x128xi32, #tpu.memory_space<vmem>>
          %dma_wait3A_188 = tpu.memref_squeeze %dma_wait3A_187 : memref<1x128xi32, #tpu.memory_space<vmem>> -> memref<128xi32, #tpu.memory_space<vmem>>
          %dma_wait3A_189 = arith.constant 0 : i32
          %dma_wait3A_190 = arith.constant 0 : i32
          %dma_wait3A_191 = tpu.memref_slice %arg10[%dma_wait3A_189, %dma_wait3A_190] : memref<10000x64xf32, #tpu.memory_space<vmem_shared>> -> memref<10000x64xf32, #tpu.memory_space<vmem_shared>>
          tpu.wait_indirect_dma semaphore(%arg26 : memref<!tpu.dma_semaphore, #tpu.memory_space<semaphore_mem>>) src(%dma_wait3A_191 : memref<10000x64xf32, #tpu.memory_space<vmem_shared>>) dst(%arg13 : memref<128x64xf32, #tpu.memory_space<vmem>>)
          %sub3A_192 = arith.constant 1 : i32
          %sub3A_193 = arith.subi %add3A_149, %sub3A_192 : i32
          %dma_start3A = arith.constant 1 : i32
          %dma_start3A_194 = arith.constant 0 : i32
          %dma_start3A_195 = tpu.memref_slice %arg17[%dma_start3A, %dma_start3A_194] : memref<2x128xi32, #tpu.memory_space<vmem>> -> memref<1x128xi32, #tpu.memory_space<vmem>>
          %dma_start3A_196 = tpu.memref_squeeze %dma_start3A_195 : memref<1x128xi32, #tpu.memory_space<vmem>> -> memref<128xi32, #tpu.memory_space<vmem>>
          %dma_start3A_197 = arith.constant 0 : i32
          %dma_start3A_198 = arith.constant 0 : i32
          %dma_start3A_199 = tpu.memref_slice %arg11[%dma_start3A_197, %dma_start3A_198] : memref<10000x64xf32, #tpu.memory_space<vmem_shared>> -> memref<10000x64xf32, #tpu.memory_space<vmem_shared>>
          tpu.enqueue_indirect_dma source(%arg13 : memref<128x64xf32, #tpu.memory_space<vmem>>) target(%dma_start3A_199 : memref<10000x64xf32, #tpu.memory_space<vmem_shared>>) offsets(%dma_start3A_196 : memref<128xi32, #tpu.memory_space<vmem>>) semaphore(%arg30 : memref<!tpu.dma_semaphore, #tpu.memory_space<semaphore_mem>>) {add = true}
          %rem3A_200 = arith.constant 2 : i32
          %rem3A_201 = arith.remsi %sub3A_193, %rem3A_200 : i32
          %eq3A_202 = arith.cmpi eq, %rem3A_201, %arg0 : i32
          %convert_element_type3A_203 = arith.extui %eq3A_202 : i1 to i32
          %cond3A_204 = arith.constant 0 : i32
          %cond3A_205 = arith.cmpi ne, %convert_element_type3A_203, %cond3A_204 : i32
          scf.if %cond3A_205 {
            %dma_start3A_206 = arith.constant 1 : i32
            %dma_start3A_207 = arith.constant 0 : i32
            %dma_start3A_208 = tpu.memref_slice %arg17[%dma_start3A_206, %dma_start3A_207] : memref<2x128xi32, #tpu.memory_space<vmem>> -> memref<1x128xi32, #tpu.memory_space<vmem>>
            %dma_start3A_209 = tpu.memref_squeeze %dma_start3A_208 : memref<1x128xi32, #tpu.memory_space<vmem>> -> memref<128xi32, #tpu.memory_space<vmem>>
            %dma_start3A_210 = arith.constant 0 : i32
            %dma_start3A_211 = tpu.memref_slice %arg12[%dma_start3A_210] : memref<10000xf32, #tpu.memory_space<vmem_shared>> -> memref<10000xf32, #tpu.memory_space<vmem_shared>>
            tpu.enqueue_indirect_dma source(%arg21 : memref<128xf32, #tpu.memory_space<vmem>>) target(%dma_start3A_211 : memref<10000xf32, #tpu.memory_space<vmem_shared>>) offsets(%dma_start3A_209 : memref<128xi32, #tpu.memory_space<vmem>>) semaphore(%arg30 : memref<!tpu.dma_semaphore, #tpu.memory_space<semaphore_mem>>) {add = true}
          } else {
          }
        } else {
        }
        %add3A_177 = arith.constant 1 : i32
        %add3A_178 = arith.addi %add3A_149, %add3A_177 : i32
        %lt3A = arith.cmpi slt, %add3A_178, %select_n3A : i32
        %convert_element_type3A_179 = arith.extui %lt3A : i1 to i32
        %cond3A_180 = arith.constant 0 : i32
        %cond3A_181 = arith.cmpi ne, %convert_element_type3A_179, %cond3A_180 : i32
        scf.if %cond3A_181 {
          %ge3A_186 = arith.constant 3 : i32
          %ge3A_187 = arith.cmpi sge, %add3A_149, %ge3A_186 : i32
          %convert_element_type3A_188 = arith.extui %ge3A_187 : i1 to i32
          %cond3A_189 = arith.constant 0 : i32
          %cond3A_190 = arith.cmpi ne, %convert_element_type3A_188, %cond3A_189 : i32
          scf.if %cond3A_190 {
            %sub3A_207 = arith.constant 3 : i32
            %sub3A_208 = arith.subi %add3A_149, %sub3A_207 : i32
            %dma_wait3A = arith.constant 1 : i32
            %dma_wait3A_209 = arith.constant 0 : i32
            %dma_wait3A_210 = tpu.memref_slice %arg19[%dma_wait3A, %dma_wait3A_209] : memref<2x128xi32, #tpu.memory_space<vmem>> -> memref<1x128xi32, #tpu.memory_space<vmem>>
            %dma_wait3A_211 = tpu.memref_squeeze %dma_wait3A_210 : memref<1x128xi32, #tpu.memory_space<vmem>> -> memref<128xi32, #tpu.memory_space<vmem>>
            %dma_wait3A_212 = arith.constant 0 : i32
            %dma_wait3A_213 = arith.constant 0 : i32
            %dma_wait3A_214 = tpu.memref_slice %arg11[%dma_wait3A_212, %dma_wait3A_213] : memref<10000x64xf32, #tpu.memory_space<vmem_shared>> -> memref<10000x64xf32, #tpu.memory_space<vmem_shared>>
            tpu.wait_indirect_dma semaphore(%arg32 : memref<!tpu.dma_semaphore, #tpu.memory_space<semaphore_mem>>) src(%arg15 : memref<128x64xf32, #tpu.memory_space<vmem>>) dst(%dma_wait3A_214 : memref<10000x64xf32, #tpu.memory_space<vmem_shared>>)
            %rem3A_215 = arith.constant 2 : i32
            %rem3A_216 = arith.remsi %sub3A_208, %rem3A_215 : i32
            %eq3A_217 = arith.cmpi eq, %rem3A_216, %arg0 : i32
            %convert_element_type3A_218 = arith.extui %eq3A_217 : i1 to i32
            %cond3A_219 = arith.constant 0 : i32
            %cond3A_220 = arith.cmpi ne, %convert_element_type3A_218, %cond3A_219 : i32
            scf.if %cond3A_220 {
              %dma_wait3A_221 = arith.constant 1 : i32
              %dma_wait3A_222 = arith.constant 0 : i32
              %dma_wait3A_223 = tpu.memref_slice %arg19[%dma_wait3A_221, %dma_wait3A_222] : memref<2x128xi32, #tpu.memory_space<vmem>> -> memref<1x128xi32, #tpu.memory_space<vmem>>
              %dma_wait3A_224 = tpu.memref_squeeze %dma_wait3A_223 : memref<1x128xi32, #tpu.memory_space<vmem>> -> memref<128xi32, #tpu.memory_space<vmem>>
              %dma_wait3A_225 = arith.constant 0 : i32
              %dma_wait3A_226 = tpu.memref_slice %arg12[%dma_wait3A_225] : memref<10000xf32, #tpu.memory_space<vmem_shared>> -> memref<10000xf32, #tpu.memory_space<vmem_shared>>
              tpu.wait_indirect_dma semaphore(%arg32 : memref<!tpu.dma_semaphore, #tpu.memory_space<semaphore_mem>>) src(%arg21 : memref<128xf32, #tpu.memory_space<vmem>>) dst(%dma_wait3A_226 : memref<10000xf32, #tpu.memory_space<vmem_shared>>)
            } else {
            }
          } else {
          }
          %add3A_191 = arith.constant 1 : i32
          %add3A_192 = arith.addi %add3A_149, %add3A_191 : i32
          %mul3A_193 = arith.constant 16 : i32
          %mul3A_194 = arith.muli %add3A_192, %mul3A_193 : i32
          %add3A_195 = arith.addi %arg1, %mul3A_194 : i32
          %mul3A_196 = arith.constant 128 : i32
          %mul3A_197 = arith.muli %add3A_195, %mul3A_196 : i32
          %dma_start3A = arith.constant 0 : i32
          %dma_start3A_198 = arith.constant 0 : i32
          %dma_start3A_199 = tpu.memref_slice %arg4[%dma_start3A, %add3A_195, %dma_start3A_198] : memref<2x2500x128xi32, #tpu.memory_space<hbm>> -> memref<2x1x128xi32, #tpu.memory_space<hbm>>
          %dma_start3A_200 = tpu.memref_squeeze %dma_start3A_199 : memref<2x1x128xi32, #tpu.memory_space<hbm>> -> memref<2x128xi32, #tpu.memory_space<hbm>>
          %dma_start3A_201 = arith.constant 0 : i32
          %dma_start3A_202 = arith.constant 0 : i32
          %dma_start3A_203 = tpu.memref_slice %arg4[%dma_start3A_201, %add3A_195, %dma_start3A_202] : memref<2x2500x128xi32, #tpu.memory_space<hbm>> -> memref<2x1x128xi32, #tpu.memory_space<hbm>>
          %dma_start3A_204 = tpu.memref_squeeze %dma_start3A_203 : memref<2x1x128xi32, #tpu.memory_space<hbm>> -> memref<2x128xi32, #tpu.memory_space<hbm>>
          tpu.enqueue_dma source(%dma_start3A_204 : memref<2x128xi32, #tpu.memory_space<hbm>>) target(%arg19 : memref<2x128xi32, #tpu.memory_space<vmem>>) target_semaphore(%arg24 : memref<!tpu.dma_semaphore, #tpu.memory_space<semaphore_mem>>)
          %dma_start3A_205 = tpu.memref_slice %arg3[%mul3A_197, %mul3A_0] : memref<320000x128xf32, #tpu.memory_space<hbm>> -> memref<128x64xf32, #tpu.memory_space<hbm>>
          %dma_start3A_206 = tpu.memref_slice %arg3[%mul3A_197, %mul3A_0] : memref<320000x128xf32, #tpu.memory_space<hbm>> -> memref<128x64xf32, #tpu.memory_space<hbm>>
          tpu.enqueue_dma source(%dma_start3A_206 : memref<128x64xf32, #tpu.memory_space<hbm>>) target(%arg15 : memref<128x64xf32, #tpu.memory_space<vmem>>) target_semaphore(%arg24 : memref<!tpu.dma_semaphore, #tpu.memory_space<semaphore_mem>>)
        } else {
        }
        %lt3A_182 = arith.cmpi slt, %add3A_149, %select_n3A : i32
        %convert_element_type3A_183 = arith.extui %lt3A_182 : i1 to i32
        %cond3A_184 = arith.constant 0 : i32
        %cond3A_185 = arith.cmpi ne, %convert_element_type3A_183, %cond3A_184 : i32
        scf.if %cond3A_185 {
          %mul3A_186 = arith.constant 16 : i32
          %mul3A_187 = arith.muli %add3A_149, %mul3A_186 : i32
          %add3A_188 = arith.addi %arg1, %mul3A_187 : i32
          %mul3A_189 = arith.constant 128 : i32
          %mul3A_190 = arith.muli %add3A_188, %mul3A_189 : i32
          %dma_wait3A = arith.constant 0 : i32
          %dma_wait3A_191 = arith.constant 0 : i32
          %dma_wait3A_192 = tpu.memref_slice %arg4[%dma_wait3A, %add3A_188, %dma_wait3A_191] : memref<2x2500x128xi32, #tpu.memory_space<hbm>> -> memref<2x1x128xi32, #tpu.memory_space<hbm>>
          %dma_wait3A_193 = tpu.memref_squeeze %dma_wait3A_192 : memref<2x1x128xi32, #tpu.memory_space<hbm>> -> memref<2x128xi32, #tpu.memory_space<hbm>>
          %dma_wait3A_194 = arith.constant 0 : i32
          %dma_wait3A_195 = arith.constant 0 : i32
          %dma_wait3A_196 = tpu.memref_slice %arg4[%dma_wait3A_194, %add3A_188, %dma_wait3A_195] : memref<2x2500x128xi32, #tpu.memory_space<hbm>> -> memref<2x1x128xi32, #tpu.memory_space<hbm>>
          %dma_wait3A_197 = tpu.memref_squeeze %dma_wait3A_196 : memref<2x1x128xi32, #tpu.memory_space<hbm>> -> memref<2x128xi32, #tpu.memory_space<hbm>>
          tpu.wait_dma2 semaphore(%arg23 : memref<!tpu.dma_semaphore, #tpu.memory_space<semaphore_mem>>) src(%dma_wait3A_197 : memref<2x128xi32, #tpu.memory_space<hbm>>) dst(%arg18 : memref<2x128xi32, #tpu.memory_space<vmem>>)
          %dma_wait3A_198 = tpu.memref_slice %arg3[%mul3A_190, %mul3A_0] : memref<320000x128xf32, #tpu.memory_space<hbm>> -> memref<128x64xf32, #tpu.memory_space<hbm>>
          %dma_wait3A_199 = tpu.memref_slice %arg3[%mul3A_190, %mul3A_0] : memref<320000x128xf32, #tpu.memory_space<hbm>> -> memref<128x64xf32, #tpu.memory_space<hbm>>
          tpu.wait_dma2 semaphore(%arg23 : memref<!tpu.dma_semaphore, #tpu.memory_space<semaphore_mem>>) src(%dma_wait3A_199 : memref<128x64xf32, #tpu.memory_space<hbm>>) dst(%arg14 : memref<128x64xf32, #tpu.memory_space<vmem>>)
          %dma_start3A = arith.constant 0 : i32
          %dma_start3A_200 = arith.constant 0 : i32
          %dma_start3A_201 = tpu.memref_slice %arg18[%dma_start3A, %dma_start3A_200] : memref<2x128xi32, #tpu.memory_space<vmem>> -> memref<1x128xi32, #tpu.memory_space<vmem>>
          %dma_start3A_202 = tpu.memref_squeeze %dma_start3A_201 : memref<1x128xi32, #tpu.memory_space<vmem>> -> memref<128xi32, #tpu.memory_space<vmem>>
          %dma_start3A_203 = arith.constant 0 : i32
          %dma_start3A_204 = arith.constant 0 : i32
          %dma_start3A_205 = tpu.memref_slice %arg10[%dma_start3A_203, %dma_start3A_204] : memref<10000x64xf32, #tpu.memory_space<vmem_shared>> -> memref<10000x64xf32, #tpu.memory_space<vmem_shared>>
          tpu.enqueue_indirect_dma source(%dma_start3A_205 : memref<10000x64xf32, #tpu.memory_space<vmem_shared>>) target(%arg14 : memref<128x64xf32, #tpu.memory_space<vmem>>) offsets(%dma_start3A_202 : memref<128xi32, #tpu.memory_space<vmem>>) semaphore(%arg27 : memref<!tpu.dma_semaphore, #tpu.memory_space<semaphore_mem>>) {add = true}
        } else {
        }
      } else {
      }
      %mul3A_154 = arith.constant 4 : i32
      %mul3A_155 = arith.muli %while3A_138, %mul3A_154 : i32
      %add3A_156 = arith.constant 2 : i32
      %add3A_157 = arith.addi %mul3A_155, %add3A_156 : i32
      %le3A_158 = arith.cmpi sle, %add3A_157, %select_n3A : i32
      %convert_element_type3A_159 = arith.extui %le3A_158 : i1 to i32
      %cond3A_160 = arith.constant 0 : i32
      %cond3A_161 = arith.cmpi ne, %convert_element_type3A_159, %cond3A_160 : i32
      scf.if %cond3A_161 {
        %ge3A_170 = arith.constant 1 : i32
        %ge3A_171 = arith.cmpi sge, %add3A_157, %ge3A_170 : i32
        %le3A_172 = arith.cmpi sle, %add3A_157, %select_n3A : i32
        %and3A_173 = arith.andi %ge3A_171, %le3A_172 : i1
        %convert_element_type3A_174 = arith.extui %and3A_173 : i1 to i32
        %cond3A_175 = arith.constant 0 : i32
        %cond3A_176 = arith.cmpi ne, %convert_element_type3A_174, %cond3A_175 : i32
        scf.if %cond3A_176 {
          %dma_wait3A = arith.constant 0 : i32
          %dma_wait3A_186 = arith.constant 0 : i32
          %dma_wait3A_187 = tpu.memref_slice %arg18[%dma_wait3A, %dma_wait3A_186] : memref<2x128xi32, #tpu.memory_space<vmem>> -> memref<1x128xi32, #tpu.memory_space<vmem>>
          %dma_wait3A_188 = tpu.memref_squeeze %dma_wait3A_187 : memref<1x128xi32, #tpu.memory_space<vmem>> -> memref<128xi32, #tpu.memory_space<vmem>>
          %dma_wait3A_189 = arith.constant 0 : i32
          %dma_wait3A_190 = arith.constant 0 : i32
          %dma_wait3A_191 = tpu.memref_slice %arg10[%dma_wait3A_189, %dma_wait3A_190] : memref<10000x64xf32, #tpu.memory_space<vmem_shared>> -> memref<10000x64xf32, #tpu.memory_space<vmem_shared>>
          tpu.wait_indirect_dma semaphore(%arg27 : memref<!tpu.dma_semaphore, #tpu.memory_space<semaphore_mem>>) src(%dma_wait3A_191 : memref<10000x64xf32, #tpu.memory_space<vmem_shared>>) dst(%arg14 : memref<128x64xf32, #tpu.memory_space<vmem>>)
          %sub3A_192 = arith.constant 1 : i32
          %sub3A_193 = arith.subi %add3A_157, %sub3A_192 : i32
          %dma_start3A = arith.constant 1 : i32
          %dma_start3A_194 = arith.constant 0 : i32
          %dma_start3A_195 = tpu.memref_slice %arg18[%dma_start3A, %dma_start3A_194] : memref<2x128xi32, #tpu.memory_space<vmem>> -> memref<1x128xi32, #tpu.memory_space<vmem>>
          %dma_start3A_196 = tpu.memref_squeeze %dma_start3A_195 : memref<1x128xi32, #tpu.memory_space<vmem>> -> memref<128xi32, #tpu.memory_space<vmem>>
          %dma_start3A_197 = arith.constant 0 : i32
          %dma_start3A_198 = arith.constant 0 : i32
          %dma_start3A_199 = tpu.memref_slice %arg11[%dma_start3A_197, %dma_start3A_198] : memref<10000x64xf32, #tpu.memory_space<vmem_shared>> -> memref<10000x64xf32, #tpu.memory_space<vmem_shared>>
          tpu.enqueue_indirect_dma source(%arg14 : memref<128x64xf32, #tpu.memory_space<vmem>>) target(%dma_start3A_199 : memref<10000x64xf32, #tpu.memory_space<vmem_shared>>) offsets(%dma_start3A_196 : memref<128xi32, #tpu.memory_space<vmem>>) semaphore(%arg31 : memref<!tpu.dma_semaphore, #tpu.memory_space<semaphore_mem>>) {add = true}
          %rem3A_200 = arith.constant 2 : i32
          %rem3A_201 = arith.remsi %sub3A_193, %rem3A_200 : i32
          %eq3A_202 = arith.cmpi eq, %rem3A_201, %arg0 : i32
          %convert_element_type3A_203 = arith.extui %eq3A_202 : i1 to i32
          %cond3A_204 = arith.constant 0 : i32
          %cond3A_205 = arith.cmpi ne, %convert_element_type3A_203, %cond3A_204 : i32
          scf.if %cond3A_205 {
            %dma_start3A_206 = arith.constant 1 : i32
            %dma_start3A_207 = arith.constant 0 : i32
            %dma_start3A_208 = tpu.memref_slice %arg18[%dma_start3A_206, %dma_start3A_207] : memref<2x128xi32, #tpu.memory_space<vmem>> -> memref<1x128xi32, #tpu.memory_space<vmem>>
            %dma_start3A_209 = tpu.memref_squeeze %dma_start3A_208 : memref<1x128xi32, #tpu.memory_space<vmem>> -> memref<128xi32, #tpu.memory_space<vmem>>
            %dma_start3A_210 = arith.constant 0 : i32
            %dma_start3A_211 = tpu.memref_slice %arg12[%dma_start3A_210] : memref<10000xf32, #tpu.memory_space<vmem_shared>> -> memref<10000xf32, #tpu.memory_space<vmem_shared>>
            tpu.enqueue_indirect_dma source(%arg21 : memref<128xf32, #tpu.memory_space<vmem>>) target(%dma_start3A_211 : memref<10000xf32, #tpu.memory_space<vmem_shared>>) offsets(%dma_start3A_209 : memref<128xi32, #tpu.memory_space<vmem>>) semaphore(%arg31 : memref<!tpu.dma_semaphore, #tpu.memory_space<semaphore_mem>>) {add = true}
          } else {
          }
        } else {
        }
        %add3A_177 = arith.constant 1 : i32
        %add3A_178 = arith.addi %add3A_157, %add3A_177 : i32
        %lt3A = arith.cmpi slt, %add3A_178, %select_n3A : i32
        %convert_element_type3A_179 = arith.extui %lt3A : i1 to i32
        %cond3A_180 = arith.constant 0 : i32
        %cond3A_181 = arith.cmpi ne, %convert_element_type3A_179, %cond3A_180 : i32
        scf.if %cond3A_181 {
          %ge3A_186 = arith.constant 3 : i32
          %ge3A_187 = arith.cmpi sge, %add3A_157, %ge3A_186 : i32
          %convert_element_type3A_188 = arith.extui %ge3A_187 : i1 to i32
          %cond3A_189 = arith.constant 0 : i32
          %cond3A_190 = arith.cmpi ne, %convert_element_type3A_188, %cond3A_189 : i32
          scf.if %cond3A_190 {
            %sub3A_207 = arith.constant 3 : i32
            %sub3A_208 = arith.subi %add3A_157, %sub3A_207 : i32
            %dma_wait3A = arith.constant 1 : i32
            %dma_wait3A_209 = arith.constant 0 : i32
            %dma_wait3A_210 = tpu.memref_slice %arg20[%dma_wait3A, %dma_wait3A_209] : memref<2x128xi32, #tpu.memory_space<vmem>> -> memref<1x128xi32, #tpu.memory_space<vmem>>
            %dma_wait3A_211 = tpu.memref_squeeze %dma_wait3A_210 : memref<1x128xi32, #tpu.memory_space<vmem>> -> memref<128xi32, #tpu.memory_space<vmem>>
            %dma_wait3A_212 = arith.constant 0 : i32
            %dma_wait3A_213 = arith.constant 0 : i32
            %dma_wait3A_214 = tpu.memref_slice %arg11[%dma_wait3A_212, %dma_wait3A_213] : memref<10000x64xf32, #tpu.memory_space<vmem_shared>> -> memref<10000x64xf32, #tpu.memory_space<vmem_shared>>
            tpu.wait_indirect_dma semaphore(%arg33 : memref<!tpu.dma_semaphore, #tpu.memory_space<semaphore_mem>>) src(%arg16 : memref<128x64xf32, #tpu.memory_space<vmem>>) dst(%dma_wait3A_214 : memref<10000x64xf32, #tpu.memory_space<vmem_shared>>)
            %rem3A_215 = arith.constant 2 : i32
            %rem3A_216 = arith.remsi %sub3A_208, %rem3A_215 : i32
            %eq3A_217 = arith.cmpi eq, %rem3A_216, %arg0 : i32
            %convert_element_type3A_218 = arith.extui %eq3A_217 : i1 to i32
            %cond3A_219 = arith.constant 0 : i32
            %cond3A_220 = arith.cmpi ne, %convert_element_type3A_218, %cond3A_219 : i32
            scf.if %cond3A_220 {
              %dma_wait3A_221 = arith.constant 1 : i32
              %dma_wait3A_222 = arith.constant 0 : i32
              %dma_wait3A_223 = tpu.memref_slice %arg20[%dma_wait3A_221, %dma_wait3A_222] : memref<2x128xi32, #tpu.memory_space<vmem>> -> memref<1x128xi32, #tpu.memory_space<vmem>>
              %dma_wait3A_224 = tpu.memref_squeeze %dma_wait3A_223 : memref<1x128xi32, #tpu.memory_space<vmem>> -> memref<128xi32, #tpu.memory_space<vmem>>
              %dma_wait3A_225 = arith.constant 0 : i32
              %dma_wait3A_226 = tpu.memref_slice %arg12[%dma_wait3A_225] : memref<10000xf32, #tpu.memory_space<vmem_shared>> -> memref<10000xf32, #tpu.memory_space<vmem_shared>>
              tpu.wait_indirect_dma semaphore(%arg33 : memref<!tpu.dma_semaphore, #tpu.memory_space<semaphore_mem>>) src(%arg21 : memref<128xf32, #tpu.memory_space<vmem>>) dst(%dma_wait3A_226 : memref<10000xf32, #tpu.memory_space<vmem_shared>>)
            } else {
            }
          } else {
          }
          %add3A_191 = arith.constant 1 : i32
          %add3A_192 = arith.addi %add3A_157, %add3A_191 : i32
          %mul3A_193 = arith.constant 16 : i32
          %mul3A_194 = arith.muli %add3A_192, %mul3A_193 : i32
          %add3A_195 = arith.addi %arg1, %mul3A_194 : i32
          %mul3A_196 = arith.constant 128 : i32
          %mul3A_197 = arith.muli %add3A_195, %mul3A_196 : i32
          %dma_start3A = arith.constant 0 : i32
          %dma_start3A_198 = arith.constant 0 : i32
          %dma_start3A_199 = tpu.memref_slice %arg4[%dma_start3A, %add3A_195, %dma_start3A_198] : memref<2x2500x128xi32, #tpu.memory_space<hbm>> -> memref<2x1x128xi32, #tpu.memory_space<hbm>>
          %dma_start3A_200 = tpu.memref_squeeze %dma_start3A_199 : memref<2x1x128xi32, #tpu.memory_space<hbm>> -> memref<2x128xi32, #tpu.memory_space<hbm>>
          %dma_start3A_201 = arith.constant 0 : i32
          %dma_start3A_202 = arith.constant 0 : i32
          %dma_start3A_203 = tpu.memref_slice %arg4[%dma_start3A_201, %add3A_195, %dma_start3A_202] : memref<2x2500x128xi32, #tpu.memory_space<hbm>> -> memref<2x1x128xi32, #tpu.memory_space<hbm>>
          %dma_start3A_204 = tpu.memref_squeeze %dma_start3A_203 : memref<2x1x128xi32, #tpu.memory_space<hbm>> -> memref<2x128xi32, #tpu.memory_space<hbm>>
          tpu.enqueue_dma source(%dma_start3A_204 : memref<2x128xi32, #tpu.memory_space<hbm>>) target(%arg20 : memref<2x128xi32, #tpu.memory_space<vmem>>) target_semaphore(%arg25 : memref<!tpu.dma_semaphore, #tpu.memory_space<semaphore_mem>>)
          %dma_start3A_205 = tpu.memref_slice %arg3[%mul3A_197, %mul3A_0] : memref<320000x128xf32, #tpu.memory_space<hbm>> -> memref<128x64xf32, #tpu.memory_space<hbm>>
          %dma_start3A_206 = tpu.memref_slice %arg3[%mul3A_197, %mul3A_0] : memref<320000x128xf32, #tpu.memory_space<hbm>> -> memref<128x64xf32, #tpu.memory_space<hbm>>
          tpu.enqueue_dma source(%dma_start3A_206 : memref<128x64xf32, #tpu.memory_space<hbm>>) target(%arg16 : memref<128x64xf32, #tpu.memory_space<vmem>>) target_semaphore(%arg25 : memref<!tpu.dma_semaphore, #tpu.memory_space<semaphore_mem>>)
        } else {
        }
        %lt3A_182 = arith.cmpi slt, %add3A_157, %select_n3A : i32
        %convert_element_type3A_183 = arith.extui %lt3A_182 : i1 to i32
        %cond3A_184 = arith.constant 0 : i32
        %cond3A_185 = arith.cmpi ne, %convert_element_type3A_183, %cond3A_184 : i32
        scf.if %cond3A_185 {
          %mul3A_186 = arith.constant 16 : i32
          %mul3A_187 = arith.muli %add3A_157, %mul3A_186 : i32
          %add3A_188 = arith.addi %arg1, %mul3A_187 : i32
          %mul3A_189 = arith.constant 128 : i32
          %mul3A_190 = arith.muli %add3A_188, %mul3A_189 : i32
          %dma_wait3A = arith.constant 0 : i32
          %dma_wait3A_191 = arith.constant 0 : i32
          %dma_wait3A_192 = tpu.memref_slice %arg4[%dma_wait3A, %add3A_188, %dma_wait3A_191] : memref<2x2500x128xi32, #tpu.memory_space<hbm>> -> memref<2x1x128xi32, #tpu.memory_space<hbm>>
          %dma_wait3A_193 = tpu.memref_squeeze %dma_wait3A_192 : memref<2x1x128xi32, #tpu.memory_space<hbm>> -> memref<2x128xi32, #tpu.memory_space<hbm>>
          %dma_wait3A_194 = arith.constant 0 : i32
          %dma_wait3A_195 = arith.constant 0 : i32
          %dma_wait3A_196 = tpu.memref_slice %arg4[%dma_wait3A_194, %add3A_188, %dma_wait3A_195] : memref<2x2500x128xi32, #tpu.memory_space<hbm>> -> memref<2x1x128xi32, #tpu.memory_space<hbm>>
          %dma_wait3A_197 = tpu.memref_squeeze %dma_wait3A_196 : memref<2x1x128xi32, #tpu.memory_space<hbm>> -> memref<2x128xi32, #tpu.memory_space<hbm>>
          tpu.wait_dma2 semaphore(%arg24 : memref<!tpu.dma_semaphore, #tpu.memory_space<semaphore_mem>>) src(%dma_wait3A_197 : memref<2x128xi32, #tpu.memory_space<hbm>>) dst(%arg19 : memref<2x128xi32, #tpu.memory_space<vmem>>)
          %dma_wait3A_198 = tpu.memref_slice %arg3[%mul3A_190, %mul3A_0] : memref<320000x128xf32, #tpu.memory_space<hbm>> -> memref<128x64xf32, #tpu.memory_space<hbm>>
          %dma_wait3A_199 = tpu.memref_slice %arg3[%mul3A_190, %mul3A_0] : memref<320000x128xf32, #tpu.memory_space<hbm>> -> memref<128x64xf32, #tpu.memory_space<hbm>>
          tpu.wait_dma2 semaphore(%arg24 : memref<!tpu.dma_semaphore, #tpu.memory_space<semaphore_mem>>) src(%dma_wait3A_199 : memref<128x64xf32, #tpu.memory_space<hbm>>) dst(%arg15 : memref<128x64xf32, #tpu.memory_space<vmem>>)
          %dma_start3A = arith.constant 0 : i32
          %dma_start3A_200 = arith.constant 0 : i32
          %dma_start3A_201 = tpu.memref_slice %arg19[%dma_start3A, %dma_start3A_200] : memref<2x128xi32, #tpu.memory_space<vmem>> -> memref<1x128xi32, #tpu.memory_space<vmem>>
          %dma_start3A_202 = tpu.memref_squeeze %dma_start3A_201 : memref<1x128xi32, #tpu.memory_space<vmem>> -> memref<128xi32, #tpu.memory_space<vmem>>
          %dma_start3A_203 = arith.constant 0 : i32
          %dma_start3A_204 = arith.constant 0 : i32
          %dma_start3A_205 = tpu.memref_slice %arg10[%dma_start3A_203, %dma_start3A_204] : memref<10000x64xf32, #tpu.memory_space<vmem_shared>> -> memref<10000x64xf32, #tpu.memory_space<vmem_shared>>
          tpu.enqueue_indirect_dma source(%dma_start3A_205 : memref<10000x64xf32, #tpu.memory_space<vmem_shared>>) target(%arg15 : memref<128x64xf32, #tpu.memory_space<vmem>>) offsets(%dma_start3A_202 : memref<128xi32, #tpu.memory_space<vmem>>) semaphore(%arg28 : memref<!tpu.dma_semaphore, #tpu.memory_space<semaphore_mem>>) {add = true}
        } else {
        }
      } else {
      }
      %mul3A_162 = arith.constant 4 : i32
      %mul3A_163 = arith.muli %while3A_138, %mul3A_162 : i32
      %add3A_164 = arith.constant 3 : i32
      %add3A_165 = arith.addi %mul3A_163, %add3A_164 : i32
      %le3A_166 = arith.cmpi sle, %add3A_165, %select_n3A : i32
      %convert_element_type3A_167 = arith.extui %le3A_166 : i1 to i32
      %cond3A_168 = arith.constant 0 : i32
      %cond3A_169 = arith.cmpi ne, %convert_element_type3A_167, %cond3A_168 : i32
      scf.if %cond3A_169 {
        %ge3A_170 = arith.constant 1 : i32
        %ge3A_171 = arith.cmpi sge, %add3A_165, %ge3A_170 : i32
        %le3A_172 = arith.cmpi sle, %add3A_165, %select_n3A : i32
        %and3A_173 = arith.andi %ge3A_171, %le3A_172 : i1
        %convert_element_type3A_174 = arith.extui %and3A_173 : i1 to i32
        %cond3A_175 = arith.constant 0 : i32
        %cond3A_176 = arith.cmpi ne, %convert_element_type3A_174, %cond3A_175 : i32
        scf.if %cond3A_176 {
          %dma_wait3A = arith.constant 0 : i32
          %dma_wait3A_186 = arith.constant 0 : i32
          %dma_wait3A_187 = tpu.memref_slice %arg19[%dma_wait3A, %dma_wait3A_186] : memref<2x128xi32, #tpu.memory_space<vmem>> -> memref<1x128xi32, #tpu.memory_space<vmem>>
          %dma_wait3A_188 = tpu.memref_squeeze %dma_wait3A_187 : memref<1x128xi32, #tpu.memory_space<vmem>> -> memref<128xi32, #tpu.memory_space<vmem>>
          %dma_wait3A_189 = arith.constant 0 : i32
          %dma_wait3A_190 = arith.constant 0 : i32
          %dma_wait3A_191 = tpu.memref_slice %arg10[%dma_wait3A_189, %dma_wait3A_190] : memref<10000x64xf32, #tpu.memory_space<vmem_shared>> -> memref<10000x64xf32, #tpu.memory_space<vmem_shared>>
          tpu.wait_indirect_dma semaphore(%arg28 : memref<!tpu.dma_semaphore, #tpu.memory_space<semaphore_mem>>) src(%dma_wait3A_191 : memref<10000x64xf32, #tpu.memory_space<vmem_shared>>) dst(%arg15 : memref<128x64xf32, #tpu.memory_space<vmem>>)
          %sub3A_192 = arith.constant 1 : i32
          %sub3A_193 = arith.subi %add3A_165, %sub3A_192 : i32
          %dma_start3A = arith.constant 1 : i32
          %dma_start3A_194 = arith.constant 0 : i32
          %dma_start3A_195 = tpu.memref_slice %arg19[%dma_start3A, %dma_start3A_194] : memref<2x128xi32, #tpu.memory_space<vmem>> -> memref<1x128xi32, #tpu.memory_space<vmem>>
          %dma_start3A_196 = tpu.memref_squeeze %dma_start3A_195 : memref<1x128xi32, #tpu.memory_space<vmem>> -> memref<128xi32, #tpu.memory_space<vmem>>
          %dma_start3A_197 = arith.constant 0 : i32
          %dma_start3A_198 = arith.constant 0 : i32
          %dma_start3A_199 = tpu.memref_slice %arg11[%dma_start3A_197, %dma_start3A_198] : memref<10000x64xf32, #tpu.memory_space<vmem_shared>> -> memref<10000x64xf32, #tpu.memory_space<vmem_shared>>
          tpu.enqueue_indirect_dma source(%arg15 : memref<128x64xf32, #tpu.memory_space<vmem>>) target(%dma_start3A_199 : memref<10000x64xf32, #tpu.memory_space<vmem_shared>>) offsets(%dma_start3A_196 : memref<128xi32, #tpu.memory_space<vmem>>) semaphore(%arg32 : memref<!tpu.dma_semaphore, #tpu.memory_space<semaphore_mem>>) {add = true}
          %rem3A_200 = arith.constant 2 : i32
          %rem3A_201 = arith.remsi %sub3A_193, %rem3A_200 : i32
          %eq3A_202 = arith.cmpi eq, %rem3A_201, %arg0 : i32
          %convert_element_type3A_203 = arith.extui %eq3A_202 : i1 to i32
          %cond3A_204 = arith.constant 0 : i32
          %cond3A_205 = arith.cmpi ne, %convert_element_type3A_203, %cond3A_204 : i32
          scf.if %cond3A_205 {
            %dma_start3A_206 = arith.constant 1 : i32
            %dma_start3A_207 = arith.constant 0 : i32
            %dma_start3A_208 = tpu.memref_slice %arg19[%dma_start3A_206, %dma_start3A_207] : memref<2x128xi32, #tpu.memory_space<vmem>> -> memref<1x128xi32, #tpu.memory_space<vmem>>
            %dma_start3A_209 = tpu.memref_squeeze %dma_start3A_208 : memref<1x128xi32, #tpu.memory_space<vmem>> -> memref<128xi32, #tpu.memory_space<vmem>>
            %dma_start3A_210 = arith.constant 0 : i32
            %dma_start3A_211 = tpu.memref_slice %arg12[%dma_start3A_210] : memref<10000xf32, #tpu.memory_space<vmem_shared>> -> memref<10000xf32, #tpu.memory_space<vmem_shared>>
            tpu.enqueue_indirect_dma source(%arg21 : memref<128xf32, #tpu.memory_space<vmem>>) target(%dma_start3A_211 : memref<10000xf32, #tpu.memory_space<vmem_shared>>) offsets(%dma_start3A_209 : memref<128xi32, #tpu.memory_space<vmem>>) semaphore(%arg32 : memref<!tpu.dma_semaphore, #tpu.memory_space<semaphore_mem>>) {add = true}
          } else {
          }
        } else {
        }
        %add3A_177 = arith.constant 1 : i32
        %add3A_178 = arith.addi %add3A_165, %add3A_177 : i32
        %lt3A = arith.cmpi slt, %add3A_178, %select_n3A : i32
        %convert_element_type3A_179 = arith.extui %lt3A : i1 to i32
        %cond3A_180 = arith.constant 0 : i32
        %cond3A_181 = arith.cmpi ne, %convert_element_type3A_179, %cond3A_180 : i32
        scf.if %cond3A_181 {
          %ge3A_186 = arith.constant 3 : i32
          %ge3A_187 = arith.cmpi sge, %add3A_165, %ge3A_186 : i32
          %convert_element_type3A_188 = arith.extui %ge3A_187 : i1 to i32
          %cond3A_189 = arith.constant 0 : i32
          %cond3A_190 = arith.cmpi ne, %convert_element_type3A_188, %cond3A_189 : i32
          scf.if %cond3A_190 {
            %sub3A_207 = arith.constant 3 : i32
            %sub3A_208 = arith.subi %add3A_165, %sub3A_207 : i32
            %dma_wait3A = arith.constant 1 : i32
            %dma_wait3A_209 = arith.constant 0 : i32
            %dma_wait3A_210 = tpu.memref_slice %arg17[%dma_wait3A, %dma_wait3A_209] : memref<2x128xi32, #tpu.memory_space<vmem>> -> memref<1x128xi32, #tpu.memory_space<vmem>>
            %dma_wait3A_211 = tpu.memref_squeeze %dma_wait3A_210 : memref<1x128xi32, #tpu.memory_space<vmem>> -> memref<128xi32, #tpu.memory_space<vmem>>
            %dma_wait3A_212 = arith.constant 0 : i32
            %dma_wait3A_213 = arith.constant 0 : i32
            %dma_wait3A_214 = tpu.memref_slice %arg11[%dma_wait3A_212, %dma_wait3A_213] : memref<10000x64xf32, #tpu.memory_space<vmem_shared>> -> memref<10000x64xf32, #tpu.memory_space<vmem_shared>>
            tpu.wait_indirect_dma semaphore(%arg30 : memref<!tpu.dma_semaphore, #tpu.memory_space<semaphore_mem>>) src(%arg13 : memref<128x64xf32, #tpu.memory_space<vmem>>) dst(%dma_wait3A_214 : memref<10000x64xf32, #tpu.memory_space<vmem_shared>>)
            %rem3A_215 = arith.constant 2 : i32
            %rem3A_216 = arith.remsi %sub3A_208, %rem3A_215 : i32
            %eq3A_217 = arith.cmpi eq, %rem3A_216, %arg0 : i32
            %convert_element_type3A_218 = arith.extui %eq3A_217 : i1 to i32
            %cond3A_219 = arith.constant 0 : i32
            %cond3A_220 = arith.cmpi ne, %convert_element_type3A_218, %cond3A_219 : i32
            scf.if %cond3A_220 {
              %dma_wait3A_221 = arith.constant 1 : i32
              %dma_wait3A_222 = arith.constant 0 : i32
              %dma_wait3A_223 = tpu.memref_slice %arg17[%dma_wait3A_221, %dma_wait3A_222] : memref<2x128xi32, #tpu.memory_space<vmem>> -> memref<1x128xi32, #tpu.memory_space<vmem>>
              %dma_wait3A_224 = tpu.memref_squeeze %dma_wait3A_223 : memref<1x128xi32, #tpu.memory_space<vmem>> -> memref<128xi32, #tpu.memory_space<vmem>>
              %dma_wait3A_225 = arith.constant 0 : i32
              %dma_wait3A_226 = tpu.memref_slice %arg12[%dma_wait3A_225] : memref<10000xf32, #tpu.memory_space<vmem_shared>> -> memref<10000xf32, #tpu.memory_space<vmem_shared>>
              tpu.wait_indirect_dma semaphore(%arg30 : memref<!tpu.dma_semaphore, #tpu.memory_space<semaphore_mem>>) src(%arg21 : memref<128xf32, #tpu.memory_space<vmem>>) dst(%dma_wait3A_226 : memref<10000xf32, #tpu.memory_space<vmem_shared>>)
            } else {
            }
          } else {
          }
          %add3A_191 = arith.constant 1 : i32
          %add3A_192 = arith.addi %add3A_165, %add3A_191 : i32
          %mul3A_193 = arith.constant 16 : i32
          %mul3A_194 = arith.muli %add3A_192, %mul3A_193 : i32
          %add3A_195 = arith.addi %arg1, %mul3A_194 : i32
          %mul3A_196 = arith.constant 128 : i32
          %mul3A_197 = arith.muli %add3A_195, %mul3A_196 : i32
          %dma_start3A = arith.constant 0 : i32
          %dma_start3A_198 = arith.constant 0 : i32
          %dma_start3A_199 = tpu.memref_slice %arg4[%dma_start3A, %add3A_195, %dma_start3A_198] : memref<2x2500x128xi32, #tpu.memory_space<hbm>> -> memref<2x1x128xi32, #tpu.memory_space<hbm>>
          %dma_start3A_200 = tpu.memref_squeeze %dma_start3A_199 : memref<2x1x128xi32, #tpu.memory_space<hbm>> -> memref<2x128xi32, #tpu.memory_space<hbm>>
          %dma_start3A_201 = arith.constant 0 : i32
          %dma_start3A_202 = arith.constant 0 : i32
          %dma_start3A_203 = tpu.memref_slice %arg4[%dma_start3A_201, %add3A_195, %dma_start3A_202] : memref<2x2500x128xi32, #tpu.memory_space<hbm>> -> memref<2x1x128xi32, #tpu.memory_space<hbm>>
          %dma_start3A_204 = tpu.memref_squeeze %dma_start3A_203 : memref<2x1x128xi32, #tpu.memory_space<hbm>> -> memref<2x128xi32, #tpu.memory_space<hbm>>
          tpu.enqueue_dma source(%dma_start3A_204 : memref<2x128xi32, #tpu.memory_space<hbm>>) target(%arg17 : memref<2x128xi32, #tpu.memory_space<vmem>>) target_semaphore(%arg22 : memref<!tpu.dma_semaphore, #tpu.memory_space<semaphore_mem>>)
          %dma_start3A_205 = tpu.memref_slice %arg3[%mul3A_197, %mul3A_0] : memref<320000x128xf32, #tpu.memory_space<hbm>> -> memref<128x64xf32, #tpu.memory_space<hbm>>
          %dma_start3A_206 = tpu.memref_slice %arg3[%mul3A_197, %mul3A_0] : memref<320000x128xf32, #tpu.memory_space<hbm>> -> memref<128x64xf32, #tpu.memory_space<hbm>>
          tpu.enqueue_dma source(%dma_start3A_206 : memref<128x64xf32, #tpu.memory_space<hbm>>) target(%arg13 : memref<128x64xf32, #tpu.memory_space<vmem>>) target_semaphore(%arg22 : memref<!tpu.dma_semaphore, #tpu.memory_space<semaphore_mem>>)
        } else {
        }
        %lt3A_182 = arith.cmpi slt, %add3A_165, %select_n3A : i32
        %convert_element_type3A_183 = arith.extui %lt3A_182 : i1 to i32
        %cond3A_184 = arith.constant 0 : i32
        %cond3A_185 = arith.cmpi ne, %convert_element_type3A_183, %cond3A_184 : i32
        scf.if %cond3A_185 {
          %mul3A_186 = arith.constant 16 : i32
          %mul3A_187 = arith.muli %add3A_165, %mul3A_186 : i32
          %add3A_188 = arith.addi %arg1, %mul3A_187 : i32
          %mul3A_189 = arith.constant 128 : i32
          %mul3A_190 = arith.muli %add3A_188, %mul3A_189 : i32
          %dma_wait3A = arith.constant 0 : i32
          %dma_wait3A_191 = arith.constant 0 : i32
          %dma_wait3A_192 = tpu.memref_slice %arg4[%dma_wait3A, %add3A_188, %dma_wait3A_191] : memref<2x2500x128xi32, #tpu.memory_space<hbm>> -> memref<2x1x128xi32, #tpu.memory_space<hbm>>
          %dma_wait3A_193 = tpu.memref_squeeze %dma_wait3A_192 : memref<2x1x128xi32, #tpu.memory_space<hbm>> -> memref<2x128xi32, #tpu.memory_space<hbm>>
          %dma_wait3A_194 = arith.constant 0 : i32
          %dma_wait3A_195 = arith.constant 0 : i32
          %dma_wait3A_196 = tpu.memref_slice %arg4[%dma_wait3A_194, %add3A_188, %dma_wait3A_195] : memref<2x2500x128xi32, #tpu.memory_space<hbm>> -> memref<2x1x128xi32, #tpu.memory_space<hbm>>
          %dma_wait3A_197 = tpu.memref_squeeze %dma_wait3A_196 : memref<2x1x128xi32, #tpu.memory_space<hbm>> -> memref<2x128xi32, #tpu.memory_space<hbm>>
          tpu.wait_dma2 semaphore(%arg25 : memref<!tpu.dma_semaphore, #tpu.memory_space<semaphore_mem>>) src(%dma_wait3A_197 : memref<2x128xi32, #tpu.memory_space<hbm>>) dst(%arg20 : memref<2x128xi32, #tpu.memory_space<vmem>>)
          %dma_wait3A_198 = tpu.memref_slice %arg3[%mul3A_190, %mul3A_0] : memref<320000x128xf32, #tpu.memory_space<hbm>> -> memref<128x64xf32, #tpu.memory_space<hbm>>
          %dma_wait3A_199 = tpu.memref_slice %arg3[%mul3A_190, %mul3A_0] : memref<320000x128xf32, #tpu.memory_space<hbm>> -> memref<128x64xf32, #tpu.memory_space<hbm>>
          tpu.wait_dma2 semaphore(%arg25 : memref<!tpu.dma_semaphore, #tpu.memory_space<semaphore_mem>>) src(%dma_wait3A_199 : memref<128x64xf32, #tpu.memory_space<hbm>>) dst(%arg16 : memref<128x64xf32, #tpu.memory_space<vmem>>)
          %dma_start3A = arith.constant 0 : i32
          %dma_start3A_200 = arith.constant 0 : i32
          %dma_start3A_201 = tpu.memref_slice %arg20[%dma_start3A, %dma_start3A_200] : memref<2x128xi32, #tpu.memory_space<vmem>> -> memref<1x128xi32, #tpu.memory_space<vmem>>
          %dma_start3A_202 = tpu.memref_squeeze %dma_start3A_201 : memref<1x128xi32, #tpu.memory_space<vmem>> -> memref<128xi32, #tpu.memory_space<vmem>>
          %dma_start3A_203 = arith.constant 0 : i32
          %dma_start3A_204 = arith.constant 0 : i32
          %dma_start3A_205 = tpu.memref_slice %arg10[%dma_start3A_203, %dma_start3A_204] : memref<10000x64xf32, #tpu.memory_space<vmem_shared>> -> memref<10000x64xf32, #tpu.memory_space<vmem_shared>>
          tpu.enqueue_indirect_dma source(%dma_start3A_205 : memref<10000x64xf32, #tpu.memory_space<vmem_shared>>) target(%arg16 : memref<128x64xf32, #tpu.memory_space<vmem>>) offsets(%dma_start3A_202 : memref<128xi32, #tpu.memory_space<vmem>>) semaphore(%arg29 : memref<!tpu.dma_semaphore, #tpu.memory_space<semaphore_mem>>) {add = true}
        } else {
        }
      } else {
      }
    }
    %sub3A_69 = arith.constant 1 : i32
    %sub3A_70 = arith.subi %select_n3A, %sub3A_69 : i32
    %sub3A_71 = arith.constant 1 : i32
    %sub3A_72 = arith.subi %select_n3A, %sub3A_71 : i32
    %sub3A_73 = arith.constant 0 : i32
    %sub3A_74 = arith.subi %sub3A_72, %sub3A_73 : i32
    %add3A_75 = arith.constant 16 : i32
    %add3A_76 = arith.addi %sub3A_74, %add3A_75 : i32
    %rem3A_77 = arith.constant 4 : i32
    %rem3A_78 = arith.remsi %add3A_76, %rem3A_77 : i32
    %sub3A_79 = arith.subi %sub3A_70, %rem3A_78 : i32
    %ge3A = arith.constant 0 : i32
    %ge3A_80 = arith.cmpi sge, %sub3A_79, %ge3A : i32
    %convert_element_type3A_81 = arith.extui %ge3A_80 : i1 to i32
    %cond3A_82 = arith.constant 0 : i32
    %cond3A_83 = arith.cmpi ne, %convert_element_type3A_81, %cond3A_82 : i32
    scf.if %cond3A_83 {
      %dma_wait3A = arith.constant 1 : i32
      %dma_wait3A_138 = arith.constant 0 : i32
      %dma_wait3A_139 = tpu.memref_slice %arg17[%dma_wait3A, %dma_wait3A_138] : memref<2x128xi32, #tpu.memory_space<vmem>> -> memref<1x128xi32, #tpu.memory_space<vmem>>
      %dma_wait3A_140 = tpu.memref_squeeze %dma_wait3A_139 : memref<1x128xi32, #tpu.memory_space<vmem>> -> memref<128xi32, #tpu.memory_space<vmem>>
      %dma_wait3A_141 = arith.constant 0 : i32
      %dma_wait3A_142 = arith.constant 0 : i32
      %dma_wait3A_143 = tpu.memref_slice %arg11[%dma_wait3A_141, %dma_wait3A_142] : memref<10000x64xf32, #tpu.memory_space<vmem_shared>> -> memref<10000x64xf32, #tpu.memory_space<vmem_shared>>
      tpu.wait_indirect_dma semaphore(%arg30 : memref<!tpu.dma_semaphore, #tpu.memory_space<semaphore_mem>>) src(%arg13 : memref<128x64xf32, #tpu.memory_space<vmem>>) dst(%dma_wait3A_143 : memref<10000x64xf32, #tpu.memory_space<vmem_shared>>)
      %rem3A_144 = arith.constant 2 : i32
      %rem3A_145 = arith.remsi %sub3A_79, %rem3A_144 : i32
      %eq3A_146 = arith.cmpi eq, %rem3A_145, %arg0 : i32
      %convert_element_type3A_147 = arith.extui %eq3A_146 : i1 to i32
      %cond3A_148 = arith.constant 0 : i32
      %cond3A_149 = arith.cmpi ne, %convert_element_type3A_147, %cond3A_148 : i32
      scf.if %cond3A_149 {
        %dma_wait3A_150 = arith.constant 1 : i32
        %dma_wait3A_151 = arith.constant 0 : i32
        %dma_wait3A_152 = tpu.memref_slice %arg17[%dma_wait3A_150, %dma_wait3A_151] : memref<2x128xi32, #tpu.memory_space<vmem>> -> memref<1x128xi32, #tpu.memory_space<vmem>>
        %dma_wait3A_153 = tpu.memref_squeeze %dma_wait3A_152 : memref<1x128xi32, #tpu.memory_space<vmem>> -> memref<128xi32, #tpu.memory_space<vmem>>
        %dma_wait3A_154 = arith.constant 0 : i32
        %dma_wait3A_155 = tpu.memref_slice %arg12[%dma_wait3A_154] : memref<10000xf32, #tpu.memory_space<vmem_shared>> -> memref<10000xf32, #tpu.memory_space<vmem_shared>>
        tpu.wait_indirect_dma semaphore(%arg30 : memref<!tpu.dma_semaphore, #tpu.memory_space<semaphore_mem>>) src(%arg21 : memref<128xf32, #tpu.memory_space<vmem>>) dst(%dma_wait3A_155 : memref<10000xf32, #tpu.memory_space<vmem_shared>>)
      } else {
      }
    } else {
    }
    %sub3A_84 = arith.constant 1 : i32
    %sub3A_85 = arith.subi %select_n3A, %sub3A_84 : i32
    %sub3A_86 = arith.constant 1 : i32
    %sub3A_87 = arith.subi %select_n3A, %sub3A_86 : i32
    %sub3A_88 = arith.constant 1 : i32
    %sub3A_89 = arith.subi %sub3A_87, %sub3A_88 : i32
    %add3A_90 = arith.constant 16 : i32
    %add3A_91 = arith.addi %sub3A_89, %add3A_90 : i32
    %rem3A_92 = arith.constant 4 : i32
    %rem3A_93 = arith.remsi %add3A_91, %rem3A_92 : i32
    %sub3A_94 = arith.subi %sub3A_85, %rem3A_93 : i32
    %ge3A_95 = arith.constant 0 : i32
    %ge3A_96 = arith.cmpi sge, %sub3A_94, %ge3A_95 : i32
    %convert_element_type3A_97 = arith.extui %ge3A_96 : i1 to i32
    %cond3A_98 = arith.constant 0 : i32
    %cond3A_99 = arith.cmpi ne, %convert_element_type3A_97, %cond3A_98 : i32
    scf.if %cond3A_99 {
      %dma_wait3A = arith.constant 1 : i32
      %dma_wait3A_138 = arith.constant 0 : i32
      %dma_wait3A_139 = tpu.memref_slice %arg18[%dma_wait3A, %dma_wait3A_138] : memref<2x128xi32, #tpu.memory_space<vmem>> -> memref<1x128xi32, #tpu.memory_space<vmem>>
      %dma_wait3A_140 = tpu.memref_squeeze %dma_wait3A_139 : memref<1x128xi32, #tpu.memory_space<vmem>> -> memref<128xi32, #tpu.memory_space<vmem>>
      %dma_wait3A_141 = arith.constant 0 : i32
      %dma_wait3A_142 = arith.constant 0 : i32
      %dma_wait3A_143 = tpu.memref_slice %arg11[%dma_wait3A_141, %dma_wait3A_142] : memref<10000x64xf32, #tpu.memory_space<vmem_shared>> -> memref<10000x64xf32, #tpu.memory_space<vmem_shared>>
      tpu.wait_indirect_dma semaphore(%arg31 : memref<!tpu.dma_semaphore, #tpu.memory_space<semaphore_mem>>) src(%arg14 : memref<128x64xf32, #tpu.memory_space<vmem>>) dst(%dma_wait3A_143 : memref<10000x64xf32, #tpu.memory_space<vmem_shared>>)
      %rem3A_144 = arith.constant 2 : i32
      %rem3A_145 = arith.remsi %sub3A_94, %rem3A_144 : i32
      %eq3A_146 = arith.cmpi eq, %rem3A_145, %arg0 : i32
      %convert_element_type3A_147 = arith.extui %eq3A_146 : i1 to i32
      %cond3A_148 = arith.constant 0 : i32
      %cond3A_149 = arith.cmpi ne, %convert_element_type3A_147, %cond3A_148 : i32
      scf.if %cond3A_149 {
        %dma_wait3A_150 = arith.constant 1 : i32
        %dma_wait3A_151 = arith.constant 0 : i32
        %dma_wait3A_152 = tpu.memref_slice %arg18[%dma_wait3A_150, %dma_wait3A_151] : memref<2x128xi32, #tpu.memory_space<vmem>> -> memref<1x128xi32, #tpu.memory_space<vmem>>
        %dma_wait3A_153 = tpu.memref_squeeze %dma_wait3A_152 : memref<1x128xi32, #tpu.memory_space<vmem>> -> memref<128xi32, #tpu.memory_space<vmem>>
        %dma_wait3A_154 = arith.constant 0 : i32
        %dma_wait3A_155 = tpu.memref_slice %arg12[%dma_wait3A_154] : memref<10000xf32, #tpu.memory_space<vmem_shared>> -> memref<10000xf32, #tpu.memory_space<vmem_shared>>
        tpu.wait_indirect_dma semaphore(%arg31 : memref<!tpu.dma_semaphore, #tpu.memory_space<semaphore_mem>>) src(%arg21 : memref<128xf32, #tpu.memory_space<vmem>>) dst(%dma_wait3A_155 : memref<10000xf32, #tpu.memory_space<vmem_shared>>)
      } else {
      }
    } else {
    }
    %sub3A_100 = arith.constant 1 : i32
    %sub3A_101 = arith.subi %select_n3A, %sub3A_100 : i32
    %sub3A_102 = arith.constant 1 : i32
    %sub3A_103 = arith.subi %select_n3A, %sub3A_102 : i32
    %sub3A_104 = arith.constant 2 : i32
    %sub3A_105 = arith.subi %sub3A_103, %sub3A_104 : i32
    %add3A_106 = arith.constant 16 : i32
    %add3A_107 = arith.addi %sub3A_105, %add3A_106 : i32
    %rem3A_108 = arith.constant 4 : i32
    %rem3A_109 = arith.remsi %add3A_107, %rem3A_108 : i32
    %sub3A_110 = arith.subi %sub3A_101, %rem3A_109 : i32
    %ge3A_111 = arith.constant 0 : i32
    %ge3A_112 = arith.cmpi sge, %sub3A_110, %ge3A_111 : i32
    %convert_element_type3A_113 = arith.extui %ge3A_112 : i1 to i32
    %cond3A_114 = arith.constant 0 : i32
    %cond3A_115 = arith.cmpi ne, %convert_element_type3A_113, %cond3A_114 : i32
    scf.if %cond3A_115 {
      %dma_wait3A = arith.constant 1 : i32
      %dma_wait3A_138 = arith.constant 0 : i32
      %dma_wait3A_139 = tpu.memref_slice %arg19[%dma_wait3A, %dma_wait3A_138] : memref<2x128xi32, #tpu.memory_space<vmem>> -> memref<1x128xi32, #tpu.memory_space<vmem>>
      %dma_wait3A_140 = tpu.memref_squeeze %dma_wait3A_139 : memref<1x128xi32, #tpu.memory_space<vmem>> -> memref<128xi32, #tpu.memory_space<vmem>>
      %dma_wait3A_141 = arith.constant 0 : i32
      %dma_wait3A_142 = arith.constant 0 : i32
      %dma_wait3A_143 = tpu.memref_slice %arg11[%dma_wait3A_141, %dma_wait3A_142] : memref<10000x64xf32, #tpu.memory_space<vmem_shared>> -> memref<10000x64xf32, #tpu.memory_space<vmem_shared>>
      tpu.wait_indirect_dma semaphore(%arg32 : memref<!tpu.dma_semaphore, #tpu.memory_space<semaphore_mem>>) src(%arg15 : memref<128x64xf32, #tpu.memory_space<vmem>>) dst(%dma_wait3A_143 : memref<10000x64xf32, #tpu.memory_space<vmem_shared>>)
      %rem3A_144 = arith.constant 2 : i32
      %rem3A_145 = arith.remsi %sub3A_110, %rem3A_144 : i32
      %eq3A_146 = arith.cmpi eq, %rem3A_145, %arg0 : i32
      %convert_element_type3A_147 = arith.extui %eq3A_146 : i1 to i32
      %cond3A_148 = arith.constant 0 : i32
      %cond3A_149 = arith.cmpi ne, %convert_element_type3A_147, %cond3A_148 : i32
      scf.if %cond3A_149 {
        %dma_wait3A_150 = arith.constant 1 : i32
        %dma_wait3A_151 = arith.constant 0 : i32
        %dma_wait3A_152 = tpu.memref_slice %arg19[%dma_wait3A_150, %dma_wait3A_151] : memref<2x128xi32, #tpu.memory_space<vmem>> -> memref<1x128xi32, #tpu.memory_space<vmem>>
        %dma_wait3A_153 = tpu.memref_squeeze %dma_wait3A_152 : memref<1x128xi32, #tpu.memory_space<vmem>> -> memref<128xi32, #tpu.memory_space<vmem>>
        %dma_wait3A_154 = arith.constant 0 : i32
        %dma_wait3A_155 = tpu.memref_slice %arg12[%dma_wait3A_154] : memref<10000xf32, #tpu.memory_space<vmem_shared>> -> memref<10000xf32, #tpu.memory_space<vmem_shared>>
        tpu.wait_indirect_dma semaphore(%arg32 : memref<!tpu.dma_semaphore, #tpu.memory_space<semaphore_mem>>) src(%arg21 : memref<128xf32, #tpu.memory_space<vmem>>) dst(%dma_wait3A_155 : memref<10000xf32, #tpu.memory_space<vmem_shared>>)
      } else {
      }
    } else {
    }
    %sub3A_116 = arith.constant 1 : i32
    %sub3A_117 = arith.subi %select_n3A, %sub3A_116 : i32
    %sub3A_118 = arith.constant 1 : i32
    %sub3A_119 = arith.subi %select_n3A, %sub3A_118 : i32
    %sub3A_120 = arith.constant 3 : i32
    %sub3A_121 = arith.subi %sub3A_119, %sub3A_120 : i32
    %add3A_122 = arith.constant 16 : i32
    %add3A_123 = arith.addi %sub3A_121, %add3A_122 : i32
    %rem3A_124 = arith.constant 4 : i32
    %rem3A_125 = arith.remsi %add3A_123, %rem3A_124 : i32
    %sub3A_126 = arith.subi %sub3A_117, %rem3A_125 : i32
    %ge3A_127 = arith.constant 0 : i32
    %ge3A_128 = arith.cmpi sge, %sub3A_126, %ge3A_127 : i32
    %convert_element_type3A_129 = arith.extui %ge3A_128 : i1 to i32
    %cond3A_130 = arith.constant 0 : i32
    %cond3A_131 = arith.cmpi ne, %convert_element_type3A_129, %cond3A_130 : i32
    scf.if %cond3A_131 {
      %dma_wait3A = arith.constant 1 : i32
      %dma_wait3A_138 = arith.constant 0 : i32
      %dma_wait3A_139 = tpu.memref_slice %arg20[%dma_wait3A, %dma_wait3A_138] : memref<2x128xi32, #tpu.memory_space<vmem>> -> memref<1x128xi32, #tpu.memory_space<vmem>>
      %dma_wait3A_140 = tpu.memref_squeeze %dma_wait3A_139 : memref<1x128xi32, #tpu.memory_space<vmem>> -> memref<128xi32, #tpu.memory_space<vmem>>
      %dma_wait3A_141 = arith.constant 0 : i32
      %dma_wait3A_142 = arith.constant 0 : i32
      %dma_wait3A_143 = tpu.memref_slice %arg11[%dma_wait3A_141, %dma_wait3A_142] : memref<10000x64xf32, #tpu.memory_space<vmem_shared>> -> memref<10000x64xf32, #tpu.memory_space<vmem_shared>>
      tpu.wait_indirect_dma semaphore(%arg33 : memref<!tpu.dma_semaphore, #tpu.memory_space<semaphore_mem>>) src(%arg16 : memref<128x64xf32, #tpu.memory_space<vmem>>) dst(%dma_wait3A_143 : memref<10000x64xf32, #tpu.memory_space<vmem_shared>>)
      %rem3A_144 = arith.constant 2 : i32
      %rem3A_145 = arith.remsi %sub3A_126, %rem3A_144 : i32
      %eq3A_146 = arith.cmpi eq, %rem3A_145, %arg0 : i32
      %convert_element_type3A_147 = arith.extui %eq3A_146 : i1 to i32
      %cond3A_148 = arith.constant 0 : i32
      %cond3A_149 = arith.cmpi ne, %convert_element_type3A_147, %cond3A_148 : i32
      scf.if %cond3A_149 {
        %dma_wait3A_150 = arith.constant 1 : i32
        %dma_wait3A_151 = arith.constant 0 : i32
        %dma_wait3A_152 = tpu.memref_slice %arg20[%dma_wait3A_150, %dma_wait3A_151] : memref<2x128xi32, #tpu.memory_space<vmem>> -> memref<1x128xi32, #tpu.memory_space<vmem>>
        %dma_wait3A_153 = tpu.memref_squeeze %dma_wait3A_152 : memref<1x128xi32, #tpu.memory_space<vmem>> -> memref<128xi32, #tpu.memory_space<vmem>>
        %dma_wait3A_154 = arith.constant 0 : i32
        %dma_wait3A_155 = tpu.memref_slice %arg12[%dma_wait3A_154] : memref<10000xf32, #tpu.memory_space<vmem_shared>> -> memref<10000xf32, #tpu.memory_space<vmem_shared>>
        tpu.wait_indirect_dma semaphore(%arg33 : memref<!tpu.dma_semaphore, #tpu.memory_space<semaphore_mem>>) src(%arg21 : memref<128xf32, #tpu.memory_space<vmem>>) dst(%dma_wait3A_155 : memref<10000xf32, #tpu.memory_space<vmem_shared>>)
      } else {
      }
    } else {
    }
    %barrier3A_132 = arith.constant 0 : index
    tpu.barrier barrier_id(%barrier3A_132)
    "tpu.region"() ({
      %run_scoped3A = tpu.sem_alloc : memref<!tpu.dma_semaphore, #tpu.memory_space<semaphore_mem>>
      %dma_start3A = tpu.memref_slice %arg8[%mul3A_2, %mul3A_0] : memref<10000x128xf32, #tpu.memory_space<hbm>> -> memref<625x64xf32, #tpu.memory_space<hbm>>
      %dma_start3A_138 = arith.constant 0 : i32
      %dma_start3A_139 = tpu.memref_slice %arg11[%mul3A_2, %dma_start3A_138] : memref<10000x64xf32, #tpu.memory_space<vmem_shared>> -> memref<625x64xf32, #tpu.memory_space<vmem_shared>>
      tpu.enqueue_dma source(%dma_start3A_139 : memref<625x64xf32, #tpu.memory_space<vmem_shared>>) target(%dma_start3A : memref<625x64xf32, #tpu.memory_space<hbm>>) target_semaphore(%run_scoped3A : memref<!tpu.dma_semaphore, #tpu.memory_space<semaphore_mem>>)
      %dma_wait3A = tpu.memref_slice %arg8[%mul3A_2, %mul3A_0] : memref<10000x128xf32, #tpu.memory_space<hbm>> -> memref<625x64xf32, #tpu.memory_space<hbm>>
      %dma_wait3A_140 = arith.constant 0 : i32
      %dma_wait3A_141 = tpu.memref_slice %arg11[%mul3A_2, %dma_wait3A_140] : memref<10000x64xf32, #tpu.memory_space<vmem_shared>> -> memref<625x64xf32, #tpu.memory_space<vmem_shared>>
      tpu.wait_dma2 semaphore(%run_scoped3A : memref<!tpu.dma_semaphore, #tpu.memory_space<semaphore_mem>>) src(%dma_wait3A_141 : memref<625x64xf32, #tpu.memory_space<vmem_shared>>) dst(%dma_wait3A : memref<625x64xf32, #tpu.memory_space<hbm>>)
      tpu.yield
    }) : () -> ()
    %eq3A_133 = arith.constant 0 : i32
    %eq3A_134 = arith.cmpi eq, %arg1, %eq3A_133 : i32
    %convert_element_type3A_135 = arith.extui %eq3A_134 : i1 to i32
    %cond3A_136 = arith.constant 0 : i32
    %cond3A_137 = arith.cmpi ne, %convert_element_type3A_135, %cond3A_136 : i32
    scf.if %cond3A_137 {
      "tpu.region"() ({
        %run_scoped3A = tpu.sem_alloc : memref<!tpu.dma_semaphore, #tpu.memory_space<semaphore_mem>>
        %dma_start3A = arith.constant 0 : i32
        %dma_start3A_138 = tpu.memref_slice %arg9[%arg0, %dma_start3A] : memref<2x10000xf32, #tpu.memory_space<hbm>> -> memref<1x10000xf32, #tpu.memory_space<hbm>>
        %dma_start3A_139 = tpu.memref_squeeze %dma_start3A_138 : memref<1x10000xf32, #tpu.memory_space<hbm>> -> memref<10000xf32, #tpu.memory_space<hbm>>
        tpu.enqueue_dma source(%arg12 : memref<10000xf32, #tpu.memory_space<vmem_shared>>) target(%dma_start3A_139 : memref<10000xf32, #tpu.memory_space<hbm>>) target_semaphore(%run_scoped3A : memref<!tpu.dma_semaphore, #tpu.memory_space<semaphore_mem>>)
        %dma_wait3A = arith.constant 0 : i32
        %dma_wait3A_140 = tpu.memref_slice %arg9[%arg0, %dma_wait3A] : memref<2x10000xf32, #tpu.memory_space<hbm>> -> memref<1x10000xf32, #tpu.memory_space<hbm>>
        %dma_wait3A_141 = tpu.memref_squeeze %dma_wait3A_140 : memref<1x10000xf32, #tpu.memory_space<hbm>> -> memref<10000xf32, #tpu.memory_space<hbm>>
        tpu.wait_dma2 semaphore(%run_scoped3A : memref<!tpu.dma_semaphore, #tpu.memory_space<semaphore_mem>>) src(%arg12 : memref<10000xf32, #tpu.memory_space<vmem_shared>>) dst(%dma_wait3A_141 : memref<10000xf32, #tpu.memory_space<hbm>>)
        tpu.yield
      }) : () -> ()
    } else {
    }
    return
  }
}

module attributes {stable_mosaic.version = 14 : i64} {
  func.func @body(%arg0: i32, %arg1: memref<2000x128xf32, #tpu.memory_space<vmem>>, %arg2: memref<1x1x2000xf32, #tpu.memory_space<vmem>>, %arg3: memref<1x1x2000xf32, #tpu.memory_space<vmem>>, %arg4: memref<2000x128xf32, #tpu.memory_space<vmem>>, %arg5: memref<128x128xf32, #tpu.memory_space<vmem>>, %arg6: memref<1x128xf32, #tpu.memory_space<vmem>>, %arg7: memref<128x128xf32, #tpu.memory_space<vmem>>, %arg8: memref<1x128xf32, #tpu.memory_space<vmem>>, %arg9: memref<1x128xf32, #tpu.memory_space<vmem>>, %arg10: memref<1x128xf32, #tpu.memory_space<vmem>>, %arg11: memref<1x128xf32, #tpu.memory_space<vmem>>) attributes {dimension_semantics = [#tpu.dimension_semantics<arbitrary>], iteration_bounds = array<i64: 5>, scalar_prefetch = 0 : i64, scratch_operands = 2 : i64, tpu.core_type = #tpu.core_type<tc>, window_params = [{transform_indices = @transform_0, window_bounds = array<i64: 2000, 128>}, {transform_indices = @transform_1, window_bounds = array<i64: 1, 1, 2000>}, {transform_indices = @transform_2, window_bounds = array<i64: 1, 1, 2000>}, {transform_indices = @transform_3, window_bounds = array<i64: 2000, 128>}, {pipeline_mode = #tpu.pipeline_mode<synchronous>, transform_indices = @transform_4, window_bounds = array<i64: 128, 128>}, {pipeline_mode = #tpu.pipeline_mode<synchronous>, transform_indices = @transform_5, window_bounds = array<i64: 1, 128>}, {pipeline_mode = #tpu.pipeline_mode<synchronous>, transform_indices = @transform_6, window_bounds = array<i64: 128, 128>}, {pipeline_mode = #tpu.pipeline_mode<synchronous>, transform_indices = @transform_7, window_bounds = array<i64: 1, 128>}, {pipeline_mode = #tpu.pipeline_mode<synchronous>, transform_indices = @transform_8, window_bounds = array<i64: 1, 128>}]} {
    %eq3A = arith.constant 0 : i32
    %eq3A_0 = arith.cmpi eq, %arg0, %eq3A : i32
    %convert_element_type3A = arith.extui %eq3A_0 : i1 to i32
    %cond3A = arith.constant 0 : i32
    %cond3A_1 = arith.cmpi ne, %convert_element_type3A, %cond3A : i32
    scf.if %cond3A_1 {
      %broadcast_in_dim3A_65 = arith.constant 0.000000e+00 : f32
      %broadcast_in_dim3A_66 = vector.broadcast %broadcast_in_dim3A_65 : f32 to vector<1x128xf32>
      %swap3A_67 = arith.constant 0 : index
      %swap3A_68 = arith.constant 0 : index
      %swap3A_69 = vector.load %arg10[%swap3A_67, %swap3A_68] : memref<1x128xf32, #tpu.memory_space<vmem>>, vector<1x128xf32>
      tpu.vector_store %arg10[%swap3A_67, %swap3A_68], %broadcast_in_dim3A_66 {strides = array<i32>} : memref<1x128xf32, #tpu.memory_space<vmem>>, vector<1x128xf32>,
      %broadcast_in_dim3A_70 = arith.constant 0.000000e+00 : f32
      %broadcast_in_dim3A_71 = vector.broadcast %broadcast_in_dim3A_70 : f32 to vector<1x128xf32>
      %swap3A_72 = arith.constant 0 : index
      %swap3A_73 = arith.constant 0 : index
      %swap3A_74 = vector.load %arg11[%swap3A_72, %swap3A_73] : memref<1x128xf32, #tpu.memory_space<vmem>>, vector<1x128xf32>
      tpu.vector_store %arg11[%swap3A_72, %swap3A_73], %broadcast_in_dim3A_71 {strides = array<i32>} : memref<1x128xf32, #tpu.memory_space<vmem>>, vector<1x128xf32>,
    } else {
    }
    %get3A = arith.constant 0 : index
    %get3A_2 = arith.constant 0 : index
    %get3A_3 = vector.load %arg1[%get3A, %get3A_2] : memref<2000x128xf32, #tpu.memory_space<vmem>>, vector<2000x128xf32>
    %get3A_4 = arith.constant 0 : index
    %get3A_5 = arith.constant 0 : index
    %get3A_6 = arith.constant 0 : index
    %get3A_7 = vector.load %arg2[%get3A_4, %get3A_5, %get3A_6] : memref<1x1x2000xf32, #tpu.memory_space<vmem>>, vector<1x1x2000xf32>
    %get3A_8 = vector.shape_cast %get3A_7 : vector<1x1x2000xf32> to vector<2000xf32>
    %get3A_9 = arith.constant 0 : index
    %get3A_10 = arith.constant 0 : index
    %get3A_11 = arith.constant 0 : index
    %get3A_12 = vector.load %arg3[%get3A_9, %get3A_10, %get3A_11] : memref<1x1x2000xf32, #tpu.memory_space<vmem>>, vector<1x1x2000xf32>
    %get3A_13 = vector.shape_cast %get3A_12 : vector<1x1x2000xf32> to vector<2000xf32>
    %add3A = arith.addf %get3A_8, %get3A_13 : vector<2000xf32>
    %get3A_14 = arith.constant 0 : index
    %get3A_15 = arith.constant 0 : index
    %get3A_16 = vector.load %arg5[%get3A_14, %get3A_15] : memref<128x128xf32, #tpu.memory_space<vmem>>, vector<128x128xf32>
    %dot_general3A = arith.constant dense<0.000000e+00> : vector<2000x128xf32>
    %dot_general3A_17 = tpu.matmul %get3A_3, %get3A_16, %dot_general3A {dimension_numbers = #tpu.dot_dimension_numbers<[1], [0], [0], [1], [0, 0, 1, 1], [], []>, transpose_lhs_hint = false} : vector<2000x128xf32>, vector<128x128xf32>, vector<2000x128xf32> -> vector<2000x128xf32>
    %broadcast_in_dim3A = vector.shape_cast %add3A : vector<2000xf32> to vector<2000x1xf32>
    %mul3A = arith.constant 2.000000e+00 : f32
    %mul3A_18 = vector.broadcast %mul3A : f32 to vector<2000x1xf32>
    %mul3A_19 = arith.mulf %mul3A_18, %broadcast_in_dim3A : vector<2000x1xf32>
    %get3A_20 = arith.constant 0 : index
    %get3A_21 = arith.constant 0 : index
    %get3A_22 = vector.load %arg6[%get3A_20, %get3A_21] : memref<1x128xf32, #tpu.memory_space<vmem>>, vector<1x128xf32>
    %mul3A_23 = vector.broadcast %mul3A_19 : vector<2000x1xf32> to vector<2000x128xf32>
    %mul3A_24 = vector.broadcast %get3A_22 : vector<1x128xf32> to vector<2000x128xf32>
    %mul3A_25 = arith.mulf %mul3A_23, %mul3A_24 : vector<2000x128xf32>
    %add3A_26 = arith.addf %dot_general3A_17, %mul3A_25 : vector<2000x128xf32>
    %get3A_27 = arith.constant 0 : index
    %get3A_28 = arith.constant 0 : index
    %get3A_29 = vector.load %arg7[%get3A_27, %get3A_28] : memref<128x128xf32, #tpu.memory_space<vmem>>, vector<128x128xf32>
    %dot_general3A_30 = arith.constant dense<0.000000e+00> : vector<2000x128xf32>
    %dot_general3A_31 = tpu.matmul %add3A_26, %get3A_29, %dot_general3A_30 {dimension_numbers = #tpu.dot_dimension_numbers<[1], [0], [0], [1], [0, 0, 1, 1], [], []>, transpose_lhs_hint = false} : vector<2000x128xf32>, vector<128x128xf32>, vector<2000x128xf32> -> vector<2000x128xf32>
    %get3A_32 = arith.constant 0 : index
    %get3A_33 = arith.constant 0 : index
    %get3A_34 = vector.load %arg8[%get3A_32, %get3A_33] : memref<1x128xf32, #tpu.memory_space<vmem>>, vector<1x128xf32>
    %add3A_35 = vector.broadcast %get3A_34 : vector<1x128xf32> to vector<2000x128xf32>
    %add3A_36 = arith.addf %dot_general3A_31, %add3A_35 : vector<2000x128xf32>
    %max3A = arith.constant 0.000000e+00 : f32
    %max3A_37 = vector.broadcast %max3A : f32 to vector<2000x128xf32>
    %max3A_38 = arith.maximumf %add3A_36, %max3A_37 : vector<2000x128xf32>
    %get3A_39 = arith.constant 0 : index
    %get3A_40 = arith.constant 0 : index
    %get3A_41 = vector.load %arg10[%get3A_39, %get3A_40] : memref<1x128xf32, #tpu.memory_space<vmem>>, vector<1x128xf32>
    %reduce_sum3A = arith.constant dense<0.000000e+00> : vector<128xf32>
    %reduce_sum3A_42 = vector.multi_reduction <add>, %max3A_38, %reduce_sum3A [0] : vector<2000x128xf32> to vector<128xf32>
    %broadcast_in_dim3A_43 = vector.shape_cast %reduce_sum3A_42 : vector<128xf32> to vector<1x128xf32>
    %add3A_44 = arith.addf %get3A_41, %broadcast_in_dim3A_43 : vector<1x128xf32>
    %swap3A = arith.constant 0 : index
    %swap3A_45 = arith.constant 0 : index
    %swap3A_46 = vector.load %arg10[%swap3A, %swap3A_45] : memref<1x128xf32, #tpu.memory_space<vmem>>, vector<1x128xf32>
    tpu.vector_store %arg10[%swap3A, %swap3A_45], %add3A_44 {strides = array<i32>} : memref<1x128xf32, #tpu.memory_space<vmem>>, vector<1x128xf32>,
    %get3A_47 = arith.constant 0 : index
    %get3A_48 = arith.constant 0 : index
    %get3A_49 = vector.load %arg11[%get3A_47, %get3A_48] : memref<1x128xf32, #tpu.memory_space<vmem>>, vector<1x128xf32>
    %get3A_50 = arith.constant 0 : index
    %get3A_51 = arith.constant 0 : index
    %get3A_52 = vector.load %arg4[%get3A_50, %get3A_51] : memref<2000x128xf32, #tpu.memory_space<vmem>>, vector<2000x128xf32>
    %reduce_sum3A_53 = arith.constant dense<0.000000e+00> : vector<128xf32>
    %reduce_sum3A_54 = vector.multi_reduction <add>, %get3A_52, %reduce_sum3A_53 [0] : vector<2000x128xf32> to vector<128xf32>
    %broadcast_in_dim3A_55 = vector.shape_cast %reduce_sum3A_54 : vector<128xf32> to vector<1x128xf32>
    %add3A_56 = arith.addf %get3A_49, %broadcast_in_dim3A_55 : vector<1x128xf32>
    %swap3A_57 = arith.constant 0 : index
    %swap3A_58 = arith.constant 0 : index
    %swap3A_59 = vector.load %arg11[%swap3A_57, %swap3A_58] : memref<1x128xf32, #tpu.memory_space<vmem>>, vector<1x128xf32>
    tpu.vector_store %arg11[%swap3A_57, %swap3A_58], %add3A_56 {strides = array<i32>} : memref<1x128xf32, #tpu.memory_space<vmem>>, vector<1x128xf32>,
    %eq3A_60 = arith.constant 4 : i32
    %eq3A_61 = arith.cmpi eq, %arg0, %eq3A_60 : i32
    %convert_element_type3A_62 = arith.extui %eq3A_61 : i1 to i32
    %cond3A_63 = arith.constant 0 : i32
    %cond3A_64 = arith.cmpi ne, %convert_element_type3A_62, %cond3A_63 : i32
    scf.if %cond3A_64 {
      %get3A_65 = arith.constant 0 : index
      %get3A_66 = arith.constant 0 : index
      %get3A_67 = vector.load %arg10[%get3A_65, %get3A_66] : memref<1x128xf32, #tpu.memory_space<vmem>>, vector<1x128xf32>
      %get3A_68 = arith.constant 0 : index
      %get3A_69 = arith.constant 0 : index
      %get3A_70 = vector.load %arg11[%get3A_68, %get3A_69] : memref<1x128xf32, #tpu.memory_space<vmem>>, vector<1x128xf32>
      %get3A_71 = arith.constant 0 : index
      %get3A_72 = arith.constant 0 : index
      %get3A_73 = vector.load %arg5[%get3A_71, %get3A_72] : memref<128x128xf32, #tpu.memory_space<vmem>>, vector<128x128xf32>
      %dot_general3A_74 = arith.constant dense<0.000000e+00> : vector<1x128xf32>
      %dot_general3A_75 = tpu.matmul %get3A_70, %get3A_73, %dot_general3A_74 {dimension_numbers = #tpu.dot_dimension_numbers<[1], [0], [0], [1], [0, 0, 1, 1], [], []>, transpose_lhs_hint = false} : vector<1x128xf32>, vector<128x128xf32>, vector<1x128xf32> -> vector<1x128xf32>
      %add3A_76 = arith.addf %get3A_67, %dot_general3A_75 : vector<1x128xf32>
      %mul3A_77 = arith.constant 9.99999974E-5 : f32
      %mul3A_78 = vector.broadcast %mul3A_77 : f32 to vector<1x128xf32>
      %mul3A_79 = arith.mulf %add3A_76, %mul3A_78 : vector<1x128xf32>
      %get3A_80 = arith.constant 0 : index
      %get3A_81 = arith.constant 0 : index
      %get3A_82 = vector.load %arg6[%get3A_80, %get3A_81] : memref<1x128xf32, #tpu.memory_space<vmem>>, vector<1x128xf32>
      %add3A_83 = arith.addf %mul3A_79, %get3A_82 : vector<1x128xf32>
      %swap3A_84 = arith.constant 0 : index
      %swap3A_85 = arith.constant 0 : index
      %swap3A_86 = vector.load %arg9[%swap3A_84, %swap3A_85] : memref<1x128xf32, #tpu.memory_space<vmem>>, vector<1x128xf32>
      tpu.vector_store %arg9[%swap3A_84, %swap3A_85], %add3A_83 {strides = array<i32>} : memref<1x128xf32, #tpu.memory_space<vmem>>, vector<1x128xf32>,
    } else {
    }
    return
  }
  func.func @transform_0(%arg0: i32) -> (i32, i32) {
    %c0_i32 = arith.constant 0 : i32
    %c0_i32_0 = arith.constant 0 : i32
    return %arg0, %c0_i32 : i32, i32
  }
  func.func @transform_1(%arg0: i32) -> (i32, i32, i32) {
    %c0_i32 = arith.constant 0 : i32
    %c0_i32_0 = arith.constant 0 : i32
    %c0_i32_1 = arith.constant 0 : i32
    return %arg0, %c0_i32, %c0_i32_0 : i32, i32, i32
  }
  func.func @transform_2(%arg0: i32) -> (i32, i32, i32) {
    %c0_i32 = arith.constant 0 : i32
    %c0_i32_0 = arith.constant 0 : i32
    %c0_i32_1 = arith.constant 0 : i32
    return %arg0, %c0_i32, %c0_i32_0 : i32, i32, i32
  }
  func.func @transform_3(%arg0: i32) -> (i32, i32) {
    %c0_i32 = arith.constant 0 : i32
    %c0_i32_0 = arith.constant 0 : i32
    return %arg0, %c0_i32 : i32, i32
  }
  func.func @transform_4(%arg0: i32) -> (i32, i32) {
    %c0_i32 = arith.constant 0 : i32
    %c0_i32_0 = arith.constant 0 : i32
    %c0_i32_1 = arith.constant 0 : i32
    return %c0_i32, %c0_i32_0 : i32, i32
  }
  func.func @transform_5(%arg0: i32) -> (i32, i32) {
    %c0_i32 = arith.constant 0 : i32
    %c0_i32_0 = arith.constant 0 : i32
    %c0_i32_1 = arith.constant 0 : i32
    return %c0_i32, %c0_i32_0 : i32, i32
  }
  func.func @transform_6(%arg0: i32) -> (i32, i32) {
    %c0_i32 = arith.constant 0 : i32
    %c0_i32_0 = arith.constant 0 : i32
    %c0_i32_1 = arith.constant 0 : i32
    return %c0_i32, %c0_i32_0 : i32, i32
  }
  func.func @transform_7(%arg0: i32) -> (i32, i32) {
    %c0_i32 = arith.constant 0 : i32
    %c0_i32_0 = arith.constant 0 : i32
    %c0_i32_1 = arith.constant 0 : i32
    return %c0_i32, %c0_i32_0 : i32, i32
  }
  func.func @transform_8(%arg0: i32) -> (i32, i32) {
    %c0_i32 = arith.constant 0 : i32
    %c0_i32_0 = arith.constant 0 : i32
    %c0_i32_1 = arith.constant 0 : i32
    return %c0_i32, %c0_i32_0 : i32, i32
  }
}

</mosaic_0001>

<sc_bundles>
// kernel: kernel.4.cloned.1.call-start
scs
__scs_entry_jumppad:
0x0: {  	(pc) =	sbr.rel $0x88, $3  }
0x1: {  	(tag) =	ssettag $0x0;
	lr =	simm.s32 $0x1  }
0x2: {  	[smem:$0x3F9A] =	sst lr;
	_ =	strace $0xD0000000  }
0x3: {  	_ = 	snop  }
0x4: {  	_ = 	snop  }
0x5: {  	_ = 	snop  }
0x6: {  	_ = 	snop  }
0x7: {  	_ = 	snop  }
__scs_overlays_trampoline_lowered:
0x8: {  	[smem:$0x3FA9] =	sst s0  }
0x9: {  	[smem:$0x3FAA] =	sst s1  }
0xa: {  	[smem:$0x3FAB] =	sst s2  }
0xb: {  	[smem:$0x3FAC] =	sst s3  }
0xc: {  	[smem:$0x3FAD] =	sst s4  }
0xd: {  	[smem:$0x3FAE] =	sst s5  }
0xe: {  	[smem:$0x3FAF] =	sst s6  }
0xf: {  	[smem:$0x3FB0] =	sst s7  }
0x10: {  	[smem:$0x3FB1] =	sst s8  }
0x11: {  	[smem:$0x3FB2] =	sst s9;
	s0 =	simm.s32 @!p0 $0x0  }
0x12: {  	s1 =	sld [smem:$0x3F98];
	s0 =	simm.s32 @p0 $0x1  }
0x13: {  	[smem:$0x3FB3] =	sst s0;
	s0 =	simm.s32 @!p1 $0x0  }
0x14: {  	s2 =	sld [smem:$0x3F97];
	s0 =	simm.s32 @p1 $0x1  }
0x15: {  	[smem:$0x3FB4] =	sst s0;
	s0 =	simm.s32 @!p2 $0x0  }
0x16: {  	s3 =	sld [smem:$0x3FDB];
	s0 =	simm.s32 @p2 $0x1  }
0x17: {  	s4 =	simm.s32 $0x1BF5;
	[smem:$0x3FB6] =	sst s0  }
0x18: {  	s0 =	sld [smem:$0x3F99];
	_ =	swait.ge [sflag:s4], $0x0  }
0x19: {  	s7 =	sld [smem:$0x3F9A]  }
0x1a: {  	s8 =	sadd.s32 $0xFFFFE003, lr  }
0x1b: {  	s9 =	sadd.s32 $0xFFFFFEF7, lr;
	s5 =	simm.s32 $0xFFFFFFFF;
	p2 =	slt.u32 s8, $0xFFFFF086  }
0x1c: {  	p1 =	slt.u32 s9, $0xF7A;
	s5 =	simm.s32 @!p2 $0x0  }
0x1d: {  	s5 =	simm.s32 @p1 $0x1;
	p0 =	seq.s32 s7, s2  }
0x1e: {  	s7 =	smul.u32 @!p0 $0xF7A, s2;
	p2 =	seq.s32 @!p0 s5, $0x0  }
0x1f: {  	s9 =	smul.u32 $0xF7A, s1;
	s8 =	simm.s32 @!p0 $0x1BF5;
	p2 =	por !p2, p0  }
0x20: {  	[sflag:s8] =	ssyncset.s32 @!p0 $0xFFFFF086;
	s6 =	sadd.s32 @!p0 s3, s7;
	s7 =	simm.s32 @!p0 $0x108  }
0x21: {  	s3 =	sadd.s32 s3, s9;
	s6 =	sadd.s32 @!p0 $0x88, s6;
	s7 =	simm.s32 @p2 $0x1082  }
0x22: {  	[simem:s7], [sflag:s8] =	dma.local @!p0 [hbm:s6], $0xF7A  }
0x23: {  	s9 =	sor.u32 $0xD0000000, s2;
	s6 =	simm.s32 $0x108;
	_ =	swait.ge @!p0 [sflag:s8], $0x0  }
0x24: {  	s3 =	sadd.s32 $0x88, s3;
	s6 =	simm.s32 @!p1 $0x1082;
	[sflag:s4] =	ssyncset.s32 $0xFFFFF086  }
0x25: {  	[simem:s6], [sflag:s4] =	dma.local [hbm:s3], $0xF7A  }
0x26: {  	[smem:$0x3F9A] =	sst s1;
	(tag) =	ssettag s2;
	_ =	strace s9  }
0x27: {  	s1 =	sld [smem:$0x3FAA]  }
0x28: {  	s2 =	sld [smem:$0x3FAB]  }
0x29: {  	s4 =	sld [smem:$0x3FAD]  }
0x2a: {  	p0 =	seq.s32 s5, $0x0;
	s5 =	sld [smem:$0x3FAE]  }
0x2b: {  	s6 =	sld [smem:$0x3FAF]  }
0x2c: {  	s7 =	sld [smem:$0x3FB0]  }
0x2d: {  	s3 =	simm.s32 $0x108;
	s8 =	sld [smem:$0x3FB1]  }
0x2e: {  	s3 =	simm.s32 @!p0 $0x1082;
	s9 =	sld [smem:$0x3FB2]  }
0x2f: {  	lr =	sadd.s32 s0, s3;
	s0 =	sld [smem:$0x3FA9]  }
0x30: {  	s3 =	sld [smem:$0x3FAC]  }
0x31: {  	[smem:$0x3FB5] =	sst s10  }
0x32: {  	s10 =	sld [smem:$0x3FB3];
	_ =	sdelay $0x3  }
0x33: {  	p0 =	seq.s32 s10, $0x1;
	s10 =	sld [smem:$0x3FB5];
	_ =	sdelay $0x3  }
0x34: {  	[smem:$0x3FB5] =	sst s10  }
0x35: {  	s10 =	sld [smem:$0x3FB4];
	_ =	sdelay $0x3  }
0x36: {  	p1 =	seq.s32 s10, $0x1;
	s10 =	sld [smem:$0x3FB5];
	_ =	sdelay $0x3  }
0x37: {  	[smem:$0x3FB5] =	sst s10  }
0x38: {  	s10 =	sld [smem:$0x3FB6]  }
0x39: {  	_ = 	snop;
	(pc) =	sbr.ind lr, $3  }
0x3a: {  	_ = 	snop  }
0x3b: {  	_ = 	snop  }
0x3c: {  	p2 =	seq.s32 s10, $0x1;
	s10 =	sld [smem:$0x3FB5]  }
0x3d: {  	_ =	shalt  }
0x3e: {  	_ =	shalt  }
0x3f: {  	_ =	shalt  }
0x40: {  	_ =	shalt  }
0x41: {  	_ =	shalt  }
0x42: {  	_ =	shalt  }
0x43: {  	_ =	shalt  }
0x44: {  	_ =	shalt  }
0x45: {  	_ =	shalt  }
0x46: {  	_ =	shalt  }
0x47: {  	_ =	shalt  }
0x48: {  	_ =	shalt  }
0x49: {  	_ =	shalt  }
0x4a: {  	_ =	shalt  }
0x4b: {  	_ =	shalt  }
0x4c: {  	_ =	shalt  }
0x4d: {  	_ =	shalt  }
0x4e: {  	_ =	shalt  }
0x4f: {  	_ =	shalt  }
0x50: {  	_ =	shalt  }
0x51: {  	_ =	shalt  }
0x52: {  	_ =	shalt  }
0x53: {  	_ =	shalt  }
0x54: {  	_ =	shalt  }
0x55: {  	_ =	shalt  }
0x56: {  	_ =	shalt  }
0x57: {  	_ =	shalt  }
0x58: {  	_ =	shalt  }
0x59: {  	_ =	shalt  }
0x5a: {  	_ =	shalt  }
0x5b: {  	_ =	shalt  }
0x5c: {  	_ =	shalt  }
0x5d: {  	_ =	shalt  }
0x5e: {  	_ =	shalt  }
0x5f: {  	_ =	shalt  }
0x60: {  	_ =	shalt  }
0x61: {  	_ =	shalt  }
0x62: {  	_ =	shalt  }
0x63: {  	_ =	shalt  }
0x64: {  	_ =	shalt  }
0x65: {  	_ =	shalt  }
0x66: {  	_ =	shalt  }
0x67: {  	_ =	shalt  }
0x68: {  	_ =	shalt  }
0x69: {  	_ =	shalt  }
0x6a: {  	_ =	shalt  }
0x6b: {  	_ =	shalt  }
0x6c: {  	_ =	shalt  }
0x6d: {  	_ =	shalt  }
0x6e: {  	_ =	shalt  }
0x6f: {  	_ =	shalt  }
0x70: {  	_ =	shalt  }
0x71: {  	_ =	shalt  }
0x72: {  	_ =	shalt  }
0x73: {  	_ =	shalt  }
0x74: {  	_ =	shalt  }
0x75: {  	_ =	shalt  }
0x76: {  	_ =	shalt  }
0x77: {  	_ =	shalt  }
0x78: {  	_ =	shalt  }
0x79: {  	_ =	shalt  }
0x7a: {  	_ =	shalt  }
0x7b: {  	_ =	shalt  }
0x7c: {  	_ =	shalt  }
0x7d: {  	_ =	shalt  }
0x7e: {  	_ =	shalt  }
0x7f: {  	_ =	shalt  }
0x80: {  	_ =	shalt  }
0x81: {  	_ =	shalt  }
0x82: {  	_ =	shalt  }
0x83: {  	_ =	shalt  }
0x84: {  	_ =	shalt  }
0x85: {  	_ =	shalt  }
0x86: {  	_ =	shalt  }
0x87: {  	_ =	shalt  }
.Lfunc_end0:
.L_simem_size_0:
called_computation_lowered:
.L_overlay_start_0:
0x88: {  	s2 =	sld [smem:$0x3FD9]  }
0x89: {  	s3 =	sld [smem:$0x3FFE];
	_ =	sdelay $0x1  }
0x8a: {  	s1 =	srdreg.scid  }
0x8b: {  	s0 =	sand.u32 $0x1, s1  }
0x8c: {  	s17 =	sshll.u32 s0, $0xA;
	s2 =	sadd.s32 s3, s2  }
0x8d: {  	s2 =	sadd.s32 s2, s17  }
0x8e: {  	[smem:$0x3FC1] =	sst s2  }
0x8f: {  	_ = 	snop  }
0x90: {  	s2 =	sld [smem:$0x3FC8]  }
0x91: {  	s18 =	sld [smem:$0x3FC7]  }
0x92: {  	s4 =	sld [smem:$0x3FD0];
	(tm) =	ssettm $0x1  }
0x93: {  	s5 =	sld [smem:$0x3FFB];
	_ =	sdelay $0x3  }
0x94: {  	_ =	strace s5  }
0x95: {  	s5 =	sld [smem:$0x3FFC];
	_ =	sdelay $0x3  }
0x96: {  	_ =	strace s5  }
0x97: {  	s5 =	sld [smem:$0x3FFD];
	_ =	sdelay $0x3  }
0x98: {  	_ =	strace s5  }
0x99: {  	_ =	strace $0x8FFFFFFF  }
0x9a: {  	s19 =	sld [smem:$0x3FDB];
	_ =	sdelay $0x1  }
0x9b: {  	s6 =	simm.s32 $_scs_section_size  }
0x9c: {  	s7 =	simm.s32 $_size__tile_overlayer_lowered;
	s8 =	simm.s32 $_tile_overlayer_lowered  }
0x9d: {  	s22 =	simm.s32 $0x1BFF;
	s21 =	sshll.u32 s8, $0x1;
	s5 =	sadd.s32 s6, s19  }
0x9e: {  	s9 =	simm.s32 $0x0;
	s20 =	sshll.u32 s7, $0x1;
	s7 =	sadd.s32 s21, s5  }
0x9f: {  	[timem:s9], [sflag:s22] =	dma.local [hbm:s7], s20  }
0xa0: {  	_ =	swait.ge [sflag:s22], s20  }
0xa1: {  	s6 =	ssub.s32 $0x0, s20;
	[sflag:s22] =	ssyncset.done $0x0  }
0xa2: {  	[sflag:s22] =	ssyncadd.s32 s6;
	_ =	sdelay $0x1  }
0xa3: {  	s23 =	simm.s32 $0x1B8B  }
0xa4: {  	_ =	swait.ge [sflag:s23], $0x1  }
0xa5: {  	[sflag:s23] =	ssyncset.done $0x0  }
0xa6: {  	s25 =	simm.s32 $0x1B8E;
	s24 =	sld [smem:$0x3FFE];
	[sflag:s23] =	ssyncadd.s32 $0xFFFFFFFF  }
0xa7: {  	s26 =	simm.s32 $execute0_lowered;
	[smem:$0x3FD2] =	sst s25  }
0xa8: {  	s7 =	sshll.u32 s26, $0x1;
	_ =	strace $0x80000046;
	[dreg:$0x1] =	wrdreg $0xFFFFFFFF  }
0xa9: {  	s28 =	simm.s32 $_size_execute0_lowered;
	s5 =	sadd.s32 s5, s7;
	[dreg:$0x0] =	wrdreg $0x0  }
0xaa: {  	s7 =	sshll.u32 s28, $0x1;
	[dreg:$0x2] =	wrdreg s5  }
0xab: {  	[dreg:$0x3] =	wrdreg s7  }
0xac: {  	[dreg:$0x4] =	wrdreg $0xC0  }
0xad: {  	_ =	task [dreg:s9], $0x5FFFF  }
0xae: {  	[dreg:$0x1] =	wrdreg $0xFFFFFFFF  }
0xaf: {  	[dreg:$0x0] =	wrdreg $0x60  }
0xb0: {  	[dreg:$0x2] =	wrdreg s2  }
0xb1: {  	[dreg:$0x3] =	wrdreg s18  }
0xb2: {  	[dreg:$0x4] =	wrdreg s24  }
0xb3: {  	[dreg:$0x5] =	wrdreg s4  }
0xb4: {  	[dreg:$0x6] =	wrdreg $0x0  }
0xb5: {  	[dreg:$0x7] =	wrdreg $0x9C400  }
0xb6: {  	[dreg:$0x8] =	wrdreg $0x138800  }
0xb7: {  	[dreg:$0x9] =	wrdreg $0x9  }
0xb8: {  	_ =	task.clear_ibuf [dreg:s9], $0xAFFFF;
	_ =	strace $0x90000046  }
0xb9: {  	s29 =	simm.s32 $0x9;
	_ =	strace $0x80000048  }
0xba: {  	_ =	swait.ge [sflag:s29], $0x1  }
0xbb: {  	[sflag:s29] =	ssyncadd.s32 $0xFFFFFFFF  }
0xbc: {  	_ =	strace $0x90000048  }
0xbd: {  	_ =	sfence  }
0xbe: {  	s30 =	sld [smem:$0x0];
	_ =	sdelay $0x2  }
0xbf: {  	s31 =	sshll.u32 s1, $0xD;
	s1 =	sshrl.u32 s1, $0x2  }
0xc0: {  	s3 =	sand.u32 $0x4000, s31;
	s1 =	sadd.s32 s1, s30  }
0xc1: {  	s0 =	sor.u32 s3, s0;
	s1 =	sshll.u32 s1, $0x11  }
0xc2: {  	s0 =	sor.u32 s1, s0  }
0xc3: {  	s0 =	sadd.s32 $0x8F2B, s0  }
0xc4: {  	[sflag:s0] =	ssyncadd.remote.s32 $0x1  }
0xc5: {  	_ =	sfence.sel $0xFFFF  }
0xc6: {  	[dreg:$0x0] =	wrdreg $0xFFFFFFFF;
	(pc) =	sbr.abs _section_cstart, $3  }
0xc7: {  	[dreg:$0x1] =	wrdreg $0xFFFFFFFF  }
0xc8: {  	_ =	task.clear_ibuf [dreg:s9], $0x2FFFF;
	_ =	strace $0x9FFFFFFF  }
0xc9: {  	(tm) =	ssettm $0x7FFFFFFF  }
tec
execute0_lowered:
.L_overlay_start_1:
0x0: {  	(tag) =	ssettag $0x1  }
0x1: {  	s1 =	rddreg [dreg:$0x0]  }
0x2: {  	s0 =	rddreg [dreg:$0x1]  }
0x3: {  	s2 =	rddreg [dreg:$0x2]  }
0x4: {  	s3 =	rddreg [dreg:$0x4]  }
0x5: {  	s4 =	rddreg [dreg:$0x5]  }
0x6: {  	s5 =	rddreg [dreg:$0x6];
	s6 =	srdreg.scid  }
0x7: {  	s10 =	stileid.u32;
	s8 =	simm.s32 $0x0;
	s29 =	simm.s32 $0x80  }
0x8: {  	s30 =	simm.s32 $0x4E200;
	s31 =	simm.s32 $0x8;
	s7 =	sand.u32 $0x1, s6  }
0x9: {  	s20 =	smul.u32 $0x13880, s10;
	[smem:$0x7FF] =	sst s8;
	s9 =	sadd.s32 $0x1200, s2  }
0xa: {  	s11 =	sadd.s32 $0x15200, s2;
	s12 =	sadd.s32 $0x14C00, s2;
	s14 =	sshll.u32 s10, $0xE  }
0xb: {  	s24 =	ssub.s32 $0x9D3, s10;
	s15 =	sshll.u32 s10, $0x4;
	s17 =	smul.u32 $0x9C40, s10  }
0xc: {  	s28 =	sshll.u32 s10, $0x6;
	s18 =	sshll.u32 s10, $0x7;
	p1 =	sne.s32 s10, $0x0  }
0xd: {  	s10 =	simm.s32 $0xD;
	_ =	strace $0x80000047;
	[dreg:$0x8] =	wrdreg s11  }
0xe: {  	s8 =	sshll.u32 s7, $0x6;
	s21 =	smul.u32 $0x4E2, s7;
	[dreg:$0x9] =	wrdreg s12  }
0xf: {  	s22 =	ssub.s32 $0x2, s7;
	s12 =	sshrl.u32 s24, $0x4;
	s19 =	sadd.s32 s9, s15  }
0x10: {  	p0 =	sne.s32 s7, $0x0;
	p2 =	seq.s32 s7, $0x0;
	s15 =	simm.s32 $0x1  }
0x11: {  	s6 =	sor.u32 s8, s20;
	s23 =	sshrl.u32 s22, $0x1;
	s14 =	sor.u32 s8, s14  }
0x12: {  	s26 =	sadd.s32 s17, s3;
	[dreg:$0xa] =	wrdreg s19;
	s6 =	sshrl.u32 s6, $0x3  }
0x13: {  	s11 =	ssub.s32 s22, s23;
	s16 =	sshrl.u32 s14, $0x3;
	s22 =	sor.u32 $0xC0000, s14  }
0x14: {  	s26 =	sshrl.u32 s26, $0x3;
	s13 =	sadd.s32 s6, s2;
	s2 =	sadd.s32 s21, s2  }
0x15: {  	s25 =	sadd.s32 s0, s16;
	s1 =	sadd.s32 s1, s6;
	[dreg:$0x15] =	wrdreg s26  }
0x16: {  	s16 =	sor.u32 $0x1C0D, s28;
	s6 =	sadd.s32 s17, s4;
	[dreg:$0xb] =	wrdreg s25  }
0x17: {  	s21 =	sor.u32 $0x80000, s14;
	s23 =	smax.u32 s11, $0x1;
	[dreg:$0xc] =	wrdreg s1  }
0x18: {  	s24 =	sshrl.u32 s22, $0x3;
	s26 =	sadd.s32 $0xFFFFFFFF, s12;
	[dreg:$0xe] =	wrdreg s6  }
0x19: {  	s28 =	sadd.s32 $0x200, s19;
	s11 =	simm.s32 $0x1BBF8;
	[dreg:$0x11] =	wrdreg s23  }
0x1a: {  	s19 =	simm.s32 $0x19AF8;
	s17 =	sadd.s32 $0x17000, s13;
	[dreg:$0x16] =	wrdreg s28  }
0x1b: {  	s20 =	sadd.s32 $0x16600, s2;
	s1 =	sshrl.u32 s21, $0x3;
	[dreg:$0xd] =	wrdreg s16  }
0x1c: {  	s25 =	sor.u32 $0x100000, s14;
	s21 =	simm.s32 $0x10;
	[dreg:$0xf] =	wrdreg s17  }
0x1d: {  	s14 =	simm.s32 $0x15AF8;
	s13 =	simm.s32 $0x0;
	[dreg:$0x10] =	wrdreg s20  }
.Ltmp0:
0x1e: {  	s1 =	sadd.s32 s1, s0;
	[dreg:$0x14] =	wrdreg s25;
	(pc) =	sbr.rel .LBB2_1-.Ltmp0, $4  }
0x1f: {  	s2 =	simm.s32 @!p1 $0x0;
	[dreg:$0x12] =	wrdreg s1;
	s1 =	sadd.s32 s24, s0  }
0x20: {  	s2 =	simm.s32 @p1 $0x1;
	[dreg:$0x13] =	wrdreg s1;
	s1 =	simm.s32 @!p0 $0x0  }
0x21: {  	s17 =	simm.s32 $0x1BE78;
	[smem:$0x7FD] =	sst s2;
	s1 =	simm.s32 @p0 $0x1  }
0x22: {  	s20 =	simm.s32 $0xA;
	[smem:$0x7FC] =	sst s1;
	s1 =	simm.s32 $0x40  }
.LBB2_8:
0x23: {  	s2 =	simm.s32 $0x9  }
0x24: {  	_ =	swait.ge [sflag:s2], $0x2000  }
0x25: {  	s23 =	sld [smem:$0x7FC];
	_ =	sdelay $0x2  }
0x26: {  	[sflag:s2] =	ssyncset.done $0x0;
	p0 =	seq.s32 s23, $0x1  }
0x27: {  	[sflag:s2] =	ssyncadd.s32 $0xFFFFE000;
	s2 =	simm.s32 @p0 $0xA  }
0x28: {  	_ =	swait.ge @p0 [sflag:s2], $0x2000  }
0x29: {  	[sflag:s2] =	ssyncset.done @p0 $0x0  }
0x2a: {  	[sflag:s2] =	ssyncadd.s32 @p0 $0xFFFFE000  }
0x2b: {  	_ =	swait.ge @p0 [sflag:s2], $0x80  }
0x2c: {  	[sflag:s2] =	ssyncset.done @p0 $0x0  }
0x2d: {  	[sflag:s2] =	ssyncadd.s32 @p0 $0xFFFFFF80;
	s2 =	simm.s32 @p0 $0xB  }
0x2e: {  	_ =	swait.ge @p0 [sflag:s2], $0x2000  }
0x2f: {  	[sflag:s2] =	ssyncset.done @p0 $0x0  }
0x30: {  	[sflag:s2] =	ssyncadd.s32 @p0 $0xFFFFE000;
	s2 =	simm.s32 @p0 $0xC  }
0x31: {  	_ =	swait.ge @p0 [sflag:s2], $0x2000  }
0x32: {  	[sflag:s2] =	ssyncset.done @p0 $0x0  }
0x33: {  	[sflag:s2] =	ssyncadd.s32 @p0 $0xFFFFE000  }
0x34: {  	_ =	swait.ge @p0 [sflag:s2], $0x80  }
0x35: {  	[sflag:s2] =	ssyncset.done @p0 $0x0  }
0x36: {  	[sflag:s2] =	ssyncadd.s32 @p0 $0xFFFFFF80;
	s2 =	simm.s32 @!p0 $0x9  }
0x37: {  	_ =	swait.ge @!p0 [sflag:s2], $0x80  }
0x38: {  	[sflag:s2] =	ssyncset.done @!p0 $0x0  }
0x39: {  	[sflag:s2] =	ssyncadd.s32 @!p0 $0xFFFFFF80;
	s2 =	simm.s32 @!p0 $0xA  }
0x3a: {  	_ =	swait.ge @!p0 [sflag:s2], $0x2000  }
0x3b: {  	[sflag:s2] =	ssyncset.done @!p0 $0x0  }
0x3c: {  	[sflag:s2] =	ssyncadd.s32 @!p0 $0xFFFFE000;
	s2 =	simm.s32 @!p0 $0xB  }
0x3d: {  	_ =	swait.ge @!p0 [sflag:s2], $0x2000  }
0x3e: {  	[sflag:s2] =	ssyncset.done @!p0 $0x0  }
0x3f: {  	[sflag:s2] =	ssyncadd.s32 @!p0 $0xFFFFE000  }
0x40: {  	_ =	swait.ge @!p0 [sflag:s2], $0x80  }
0x41: {  	[sflag:s2] =	ssyncset.done @!p0 $0x0  }
0x42: {  	[sflag:s2] =	ssyncadd.s32 @!p0 $0xFFFFFF80;
	s2 =	simm.s32 @!p0 $0xC  }
0x43: {  	_ =	swait.ge @!p0 [sflag:s2], $0x2000  }
0x44: {  	[sflag:s2] =	ssyncset.done @!p0 $0x0  }
0x45: {  	[sflag:s2] =	ssyncadd.s32 @!p0 $0xFFFFE000  }
0x46: {  	[bflag:$0x0] =	sbarrier.arrive $0xFFFF  }
0x47: {  	s16 =	rddreg [dreg:$0xd]  }
0x48: {  	s24 =	rddreg [dreg:$0xf]  }
0x49: {  	s15 =	simm.s32 $0x1;
	s21 =	simm.s32 $0x10;
	s6 =	rddreg [dreg:$0x17]  }
0x4a: {  	[hbm:s24@s21], [sflag:s16] =	dma.strided [spmem:s6@s31], $0x1388, s15, $0x8   }
0x4b: {  	_ =	swait.ge [sflag:s10], $0x1388  }
0x4c: {  	s25 =	sld [smem:$0x7FD];
	_ =	sdelay $0x1  }
0x4d: {  	[sflag:s10] =	ssyncset.done $0x0;
	s2 =	rddreg [dreg:$0x10]  }
0x4e: {  	s6 =	rddreg [dreg:$0x18];
	[sflag:s10] =	ssyncadd.s32 $0xFFFFEC78;
	p1 =	seq.s32 s25, $0x1  }
0x4f: {  	[hbm:s2], [sflag:s16] =	dma.local @!p1 [spmem:s6], $0x4E2  }
0x50: {  	s2 =	simm.s32 @!p1 $0xD  }
0x51: {  	_ =	swait.ge @!p1 [sflag:s2], $0x4E2  }
0x52: {  	s13 =	sadd.s32 $0x1, s13;
	s28 =	rddreg [dreg:$0x11]  }
0x53: {  	p0 =	sne.s32 s13, s28  }
.Ltmp1:
0x54: {  	_ = 	snop;
	(pc) =	sbr.rel @!p0 .LBB2_9-.Ltmp1, $3  }
0x55: {  	_ =	sdelay $0x1  }
0x56: {  	[sflag:s2] =	ssyncset.done @!p1 $0x0  }
0x57: {  	[sflag:s2] =	ssyncadd.s32 @!p1 $0xFFFFFB1E  }
.LBB2_1:
0x58: {  	s2 =	rddreg [dreg:$0xa]  }
0x59: {  	s22 =	rddreg [dreg:$0xb]  }
0x5a: {  	s6 =	simm.s32 $0x1BAF8;
	s24 =	rddreg [dreg:$0xc]  }
0x5b: {  	[tilespmem:s6], [sflag:$0x1] =	stream.strided.gather [hbm4b:s2+s29], $0x100, s30, s29, $0x38;
	[tilespmem:$0x1BF78] =	vst v63  }
0x5c: {  	s23 =	simm.s32 $0x13AF8;
	s25 =	rddreg [dreg:$0x15]  }
0x5d: {  	[tilespmem:s23], [sflag:$0x1] =	stream.strided.gather [hbm4b:s22+s1], $0x2000, s29, s1, $0x38;
	[tilespmem:$0x1BF78] =	vst v63  }
0x5e: {  	[spmem:s25@s31], [sflag:s16] =	dma.strided [hbm:s24@s21], $0x1388, s15, $0x8   }
0x5f: {  	_ =	swait.ge [sflag:s10], $0x1388  }
0x60: {  	s15 =	rddreg [dreg:$0xe]  }
0x61: {  	[sflag:s10] =	ssyncset.done $0x0;
	s22 =	rddreg [dreg:$0x8];
	s21 =	sshrl.u32 s15, $0x3  }
0x62: {  	[sflag:s10] =	ssyncadd.s32 $0xFFFFEC78;
	[dreg:$0x17] =	wrdreg s21  }
0x63: {  	[spmem:s21], [sflag:s16] =	dma.local [hbm:s22], $0x1388  }
0x64: {  	_ =	swait.ge [sflag:s10], $0x1388  }
0x65: {  	[sflag:s10] =	ssyncset.done $0x0  }
0x66: {  	[sflag:s10] =	ssyncadd.s32 $0xFFFFEC78  }
0x67: {  	s24 =	simm.s32 $0x0;
	s25 =	simm.s32 $0x1BEF8;
	s23 =	rddreg [dreg:$0x3]  }
0x68: {  	[tilespmem:s25], [sflag:$0xD] =	stream.linear.gather [hbm4b:s23+s24], $0x80, $0x38;
	[tilespmem:$0x1BF78] =	vst v63  }
0x69: {  	s6 =	sshrl.u32 @!p1 s5, $0x3;
	_ =	swait.ge [sflag:s10], $0x80  }
0x6a: {  	[dreg:$0x18] =	wrdreg s6;
	[sflag:s10] =	ssyncset.done $0x0  }
0x6b: {  	s2 =	rddreg [dreg:$0x9];
	[sflag:s10] =	ssyncadd.s32 $0xFFFFFF80  }
0x6c: {  	[spmem:s6], [sflag:s16] =	dma.local @!p1 [hbm:s2], $0x4E2  }
0x6d: {  	s2 =	simm.s32 @!p1 $0xD  }
0x6e: {  	_ =	swait.ge @!p1 [sflag:s2], $0x4E2  }
0x6f: {  	[sflag:s2] =	ssyncset.done @!p1 $0x0  }
0x70: {  	[sflag:s2] =	ssyncadd.s32 @!p1 $0xFFFFFB1E  }
.Ltmp2:
0x71: {  	[bflag:$0x0] =	sbarrier.arrive $0xFFFF;
	(pc) =	sbr.rel .LBB2_2-.Ltmp2, $4  }
0x72: {  	s24 =	rddreg [dreg:$0x14]  }
0x73: {  	s23 =	rddreg [dreg:$0x13]  }
0x74: {  	s25 =	rddreg [dreg:$0x12]  }
0x75: {  	s2 =	simm.s32 $0x0;
	s28 =	rddreg [dreg:$0x16]  }
.LBB2_3:
0x76: {  	s6 =	simm.s32 $0x1  }
.LBB2_6:
0x77: {  	s6 =	sshll.u32 s6, $0xB  }
0x78: {  	s6 =	sor.u32 s18, s6  }
0x79: {  	s15 =	sshrl.u32 s6, $0x3;
	s6 =	sshll.u32 s6, $0x7  }
0x7a: {  	s15 =	sadd.s32 s9, s15;
	s6 =	sor.u32 s8, s6  }
0x7b: {  	[tilespmem:s11], [sflag:$0x2] =	stream.strided.gather [hbm4b:s15+s29], $0x100, s30, s29, $0x38;
	[tilespmem:$0x1BF78] =	vst v63  }
0x7c: {  	s6 =	sshrl.u32 s6, $0x3  }
0x7d: {  	s6 =	sadd.s32 s0, s6  }
0x7e: {  	[tilespmem:s14], [sflag:$0x2] =	stream.strided.gather [hbm4b:s6+s1], $0x2000, s29, s1, $0x38;
	[tilespmem:$0x1BF78] =	vst v63  }
.LBB2_7:
0x7f: {  	p3 =	sge.u32 s2, s12  }
0x80: {  	s6 =	simm.s32 @!p3 $0x1  }
0x81: {  	_ =	swait.ge @!p3 [sflag:s6], $0x100  }
0x82: {  	[sflag:s6] =	ssyncset.done @!p3 $0x0  }
0x83: {  	[sflag:s6] =	ssyncadd.s32 @!p3 $0xFFFFFF00  }
0x84: {  	_ =	swait.ge @!p3 [sflag:s6], $0x2000  }
0x85: {  	s15 =	simm.s32 @!p3 $0x1BAF8;
	[sflag:s6] =	ssyncset.done @!p3 $0x0  }
0x86: {  	s21 =	simm.s32 @!p3 $0x13AF8;
	[sflag:s6] =	ssyncadd.s32 @!p3 $0xFFFFE000;
	s6 =	simm.s32 @!p3 $0x80  }
0x87: {  	[tilespmem:s21], [sflag:$0x5] =	stream.indirect.gather.add.f32 @!p3 [spmem:s3], $0x40, s15, s6, $0xb8;
	[tilespmem:$0x1BF78] =	vst v63  }
0x88: {  	s15 =	simm.s32 @!p3 $0x5  }
0x89: {  	_ =	swait.ge @!p3 [sflag:s15], $0x2000  }
0x8a: {  	p4 =	sne.s32 @!p3 s7, $0x0;
	[sflag:s15] =	ssyncset.done @!p3 $0x0  }
0x8b: {  	p4 =	por p4, p3;
	[sflag:s15] =	ssyncadd.s32 @!p3 $0xFFFFE000;
	s15 =	simm.s32 @!p3 $0x1BB78  }
0x8c: {  	[spmem:s4] =	stream.indirect.scatter.add.f32 @!p3 [tilespmem:s21], [sflag:$0x9], $0x40, s15, s6, $0xb8;
	[tilespmem:$0x1BF78] =	vst v63  }
0x8d: {  	s6 =	simm.s32 @!p4 $0x80;
	s15 =	simm.s32 @!p4 $0x1BB78;
	s21 =	simm.s32 @!p4 $0x1BEF8  }
0x8e: {  	[spmem:s5] =	stream.indirect.scatter.add.f32 @!p4 [tilespmem:s21], [sflag:$0x9], $0x1, s15, s6, $0xb8;
	[tilespmem:$0x1BF78] =	vst v63  }
0x8f: {  	s6 =	sadd.s32 @!p3 $0x2, s2  }
0x90: {  	p5 =	sge.u32 @!p3 s6, s12  }
0x91: {  	p4 =	por p5, p3  }
0x92: {  	p6 =	seq.s32 @!p4 s2, $0x0  }
0x93: {  	p0 =	por @!p3 p6, p5  }
0x94: {  	p0 =	por p0, p3  }
0x95: {  	p1 =	sne.s32 @!p0 s7, $0x0  }
0x96: {  	s6 =	simm.s32 @!p0 $0xB;
	p1 =	por @!p4 p1, p6  }
0x97: {  	_ =	swait.ge @!p0 [sflag:s6], $0x2000;
	p1 =	por @!p3 p1, p5  }
0x98: {  	[sflag:s6] =	ssyncset.done @!p0 $0x0;
	p1 =	por p1, p3  }
0x99: {  	[sflag:s6] =	ssyncadd.s32 @!p0 $0xFFFFE000;
	s6 =	simm.s32 @!p1 $0xB  }
0x9a: {  	_ =	swait.ge @!p1 [sflag:s6], $0x80  }
0x9b: {  	s15 =	simm.s32 @!p4 $0x4E200;
	s21 =	simm.s32 @!p4 $0x1BCF8;
	[sflag:s6] =	ssyncset.done @!p1 $0x0  }
0x9c: {  	p0 =	sge.u32 @!p3 s2, s26;
	[sflag:s6] =	ssyncadd.s32 @!p1 $0xFFFFFF80;
	s6 =	simm.s32 @!p4 $0x80  }
0x9d: {  	[tilespmem:s21], [sflag:$0x3] =	stream.strided.gather @!p4 [hbm4b:s28+s6], $0x100, s15, s6, $0x38;
	[tilespmem:$0x1BF78] =	vst v63  }
0x9e: {  	p0 =	por p0, p3;
	s15 =	simm.s32 @!p4 $0x40;
	s21 =	simm.s32 @!p4 $0x17AF8  }
0x9f: {  	[tilespmem:s21], [sflag:$0x3] =	stream.strided.gather @!p4 [hbm4b:s25+s15], $0x2000, s6, s15, $0x38;
	[tilespmem:$0x1BF78] =	vst v63  }
0xa0: {  	s6 =	simm.s32 @!p0 $0x2  }
0xa1: {  	_ =	swait.ge @!p0 [sflag:s6], $0x100  }
0xa2: {  	[sflag:s6] =	ssyncset.done @!p0 $0x0  }
0xa3: {  	[sflag:s6] =	ssyncadd.s32 @!p0 $0xFFFFFF00  }
0xa4: {  	_ =	swait.ge @!p0 [sflag:s6], $0x2000  }
0xa5: {  	s15 =	simm.s32 @!p0 $0x1BBF8;
	[sflag:s6] =	ssyncset.done @!p0 $0x0  }
0xa6: {  	s21 =	simm.s32 @!p0 $0x15AF8;
	[sflag:s6] =	ssyncadd.s32 @!p0 $0xFFFFE000;
	s6 =	simm.s32 @!p0 $0x80  }
0xa7: {  	[tilespmem:s21], [sflag:$0x6] =	stream.indirect.gather.add.f32 @!p0 [spmem:s3], $0x40, s15, s6, $0xb8;
	[tilespmem:$0x1BF78] =	vst v63  }
0xa8: {  	s6 =	sadd.s32 $0x2, s2  }
0xa9: {  	p3 =	sgt.u32 s6, s12  }
0xaa: {  	s15 =	simm.s32 @!p3 $0x6  }
0xab: {  	p0 =	seq.s32 @!p3 s7, $0x0;
	_ =	swait.ge @!p3 [sflag:s15], $0x2000  }
0xac: {  	s21 =	simm.s32 @!p3 $0x1BC78;
	s22 =	simm.s32 @!p3 $0x15AF8;
	[sflag:s15] =	ssyncset.done @!p3 $0x0  }
0xad: {  	p0 =	por p0, p3;
	[sflag:s15] =	ssyncadd.s32 @!p3 $0xFFFFE000;
	s15 =	simm.s32 @!p3 $0x80  }
0xae: {  	[spmem:s4] =	stream.indirect.scatter.add.f32 @!p3 [tilespmem:s22], [sflag:$0xA], $0x40, s21, s15, $0xb8;
	[tilespmem:$0x1BF78] =	vst v63  }
0xaf: {  	s15 =	simm.s32 @!p0 $0x80;
	s21 =	simm.s32 @!p0 $0x1BC78;
	s22 =	simm.s32 @!p0 $0x1BEF8  }
0xb0: {  	[spmem:s5] =	stream.indirect.scatter.add.f32 @!p0 [tilespmem:s22], [sflag:$0xA], $0x1, s21, s15, $0xb8;
	[tilespmem:$0x1BF78] =	vst v63  }
0xb1: {  	s15 =	sadd.s32 @!p3 $0x3, s2  }
0xb2: {  	p0 =	sge.u32 @!p3 s15, s12  }
0xb3: {  	p4 =	por p0, p3  }
0xb4: {  	p1 =	seq.s32 @!p4 s2, $0x0  }
0xb5: {  	p5 =	por @!p3 p1, p0  }
0xb6: {  	p5 =	por p5, p3  }
0xb7: {  	p6 =	seq.s32 @!p5 s7, $0x0  }
0xb8: {  	s15 =	simm.s32 @!p5 $0xC;
	p1 =	por @!p4 p6, p1  }
0xb9: {  	_ =	swait.ge @!p5 [sflag:s15], $0x2000;
	p0 =	por @!p3 p1, p0  }
0xba: {  	[sflag:s15] =	ssyncset.done @!p5 $0x0;
	p0 =	por p0, p3  }
0xbb: {  	[sflag:s15] =	ssyncadd.s32 @!p5 $0xFFFFE000;
	s15 =	simm.s32 @!p0 $0xC  }
0xbc: {  	s21 =	simm.s32 @!p4 $0x80;
	_ =	swait.ge @!p0 [sflag:s15], $0x80  }
0xbd: {  	s22 =	simm.s32 @!p4 $0x4E200;
	s16 =	simm.s32 @!p4 $0x1BDF8;
	[sflag:s15] =	ssyncset.done @!p0 $0x0  }
0xbe: {  	[sflag:s15] =	ssyncadd.s32 @!p0 $0xFFFFFF80;
	s15 =	sadd.s32 @!p4 $0x100, s28;
	p0 =	sge.u32 @!p3 s6, s12  }
0xbf: {  	[tilespmem:s16], [sflag:$0x4] =	stream.strided.gather @!p4 [hbm4b:s15+s21], $0x100, s22, s21, $0x38;
	[tilespmem:$0x1BF78] =	vst v63  }
0xc0: {  	p0 =	por p0, p3  }
0xc1: {  	s15 =	simm.s32 @!p4 $0x40;
	s16 =	simm.s32 @!p4 $0x19AF8;
	s6 =	simm.s32 @!p0 $0x3  }
0xc2: {  	[tilespmem:s16], [sflag:$0x4] =	stream.strided.gather @!p4 [hbm4b:s23+s15], $0x2000, s21, s15, $0x38;
	[tilespmem:$0x1BF78] =	vst v63  }
0xc3: {  	_ =	swait.ge @!p0 [sflag:s6], $0x100  }
0xc4: {  	[sflag:s6] =	ssyncset.done @!p0 $0x0  }
0xc5: {  	[sflag:s6] =	ssyncadd.s32 @!p0 $0xFFFFFF00  }
0xc6: {  	_ =	swait.ge @!p0 [sflag:s6], $0x2000  }
0xc7: {  	s15 =	simm.s32 @!p0 $0x1BCF8;
	[sflag:s6] =	ssyncset.done @!p0 $0x0  }
0xc8: {  	s16 =	simm.s32 @!p0 $0x17AF8;
	[sflag:s6] =	ssyncadd.s32 @!p0 $0xFFFFE000;
	s6 =	simm.s32 @!p0 $0x80  }
0xc9: {  	[tilespmem:s16], [sflag:$0x7] =	stream.indirect.gather.add.f32 @!p0 [spmem:s3], $0x40, s15, s6, $0xb8;
	[tilespmem:$0x1BF78] =	vst v63  }
0xca: {  	s6 =	sadd.s32 $0x3, s2  }
0xcb: {  	p3 =	sgt.u32 s6, s12  }
0xcc: {  	s15 =	simm.s32 @!p3 $0x7  }
0xcd: {  	p0 =	sne.s32 @!p3 s7, $0x0;
	_ =	swait.ge @!p3 [sflag:s15], $0x2000  }
0xce: {  	s16 =	simm.s32 @!p3 $0x1BD78;
	s21 =	simm.s32 @!p3 $0x17AF8;
	[sflag:s15] =	ssyncset.done @!p3 $0x0  }
0xcf: {  	p0 =	por p0, p3;
	[sflag:s15] =	ssyncadd.s32 @!p3 $0xFFFFE000;
	s15 =	simm.s32 @!p3 $0x80  }
0xd0: {  	[spmem:s4] =	stream.indirect.scatter.add.f32 @!p3 [tilespmem:s21], [sflag:$0xB], $0x40, s16, s15, $0xb8;
	[tilespmem:$0x1BF78] =	vst v63  }
0xd1: {  	s15 =	simm.s32 @!p0 $0x80;
	s16 =	simm.s32 @!p0 $0x1BD78;
	s21 =	simm.s32 @!p0 $0x1BEF8  }
0xd2: {  	[spmem:s5] =	stream.indirect.scatter.add.f32 @!p0 [tilespmem:s21], [sflag:$0xB], $0x1, s16, s15, $0xb8;
	[tilespmem:$0x1BF78] =	vst v63  }
0xd3: {  	s15 =	sadd.s32 @!p3 $0x4, s2  }
0xd4: {  	p0 =	sge.u32 @!p3 s15, s12  }
0xd5: {  	p4 =	por p0, p3  }
0xd6: {  	p1 =	sne.s32 @!p4 s7, $0x0;
	s15 =	simm.s32 @!p4 $0x9  }
0xd7: {  	_ =	swait.ge @!p4 [sflag:s15], $0x2000;
	p0 =	por @!p3 p1, p0  }
0xd8: {  	[sflag:s15] =	ssyncset.done @!p4 $0x0;
	p0 =	por p0, p3  }
0xd9: {  	[sflag:s15] =	ssyncadd.s32 @!p4 $0xFFFFE000;
	s15 =	simm.s32 @!p0 $0x9  }
0xda: {  	s16 =	simm.s32 @!p4 $0x80;
	_ =	swait.ge @!p0 [sflag:s15], $0x80  }
0xdb: {  	s21 =	simm.s32 @!p4 $0x4E200;
	s22 =	simm.s32 @!p4 $0x1BAF8;
	[sflag:s15] =	ssyncset.done @!p0 $0x0  }
0xdc: {  	[sflag:s15] =	ssyncadd.s32 @!p0 $0xFFFFFF80;
	s15 =	sadd.s32 @!p4 $0x200, s28;
	p0 =	sge.u32 @!p3 s6, s12  }
0xdd: {  	[tilespmem:s22], [sflag:$0x1] =	stream.strided.gather @!p4 [hbm4b:s15+s16], $0x100, s21, s16, $0x38;
	[tilespmem:$0x1BF78] =	vst v63  }
0xde: {  	s15 =	sshrl.u32 @!p4 s24, $0x3;
	s21 =	simm.s32 @!p4 $0x40;
	p0 =	por p0, p3  }
0xdf: {  	s22 =	simm.s32 @!p4 $0x13AF8;
	s15 =	sadd.s32 @!p4 s0, s15;
	s6 =	simm.s32 @!p0 $0x4  }
0xe0: {  	[tilespmem:s22], [sflag:$0x1] =	stream.strided.gather @!p4 [hbm4b:s15+s21], $0x2000, s16, s21, $0x38;
	[tilespmem:$0x1BF78] =	vst v63  }
0xe1: {  	_ =	swait.ge @!p0 [sflag:s6], $0x100  }
0xe2: {  	[sflag:s6] =	ssyncset.done @!p0 $0x0  }
0xe3: {  	[sflag:s6] =	ssyncadd.s32 @!p0 $0xFFFFFF00  }
0xe4: {  	_ =	swait.ge @!p0 [sflag:s6], $0x2000  }
0xe5: {  	s2 =	sadd.s32 $0x4, s2;
	s15 =	simm.s32 @!p0 $0x1BDF8;
	[sflag:s6] =	ssyncset.done @!p0 $0x0  }
0xe6: {  	s16 =	simm.s32 @!p0 $0x19AF8;
	[sflag:s6] =	ssyncadd.s32 @!p0 $0xFFFFE000;
	s6 =	simm.s32 @!p0 $0x80  }
0xe7: {  	[tilespmem:s16], [sflag:$0x8] =	stream.indirect.gather.add.f32 @!p0 [spmem:s3], $0x40, s15, s6, $0xb8;
	[tilespmem:$0x1BF78] =	vst v63  }
0xe8: {  	p0 =	sne.s32 s2, $0xA0  }
.Ltmp3:
0xe9: {  	_ = 	snop;
	(pc) =	sbr.rel @!p0 .LBB2_8-.Ltmp3, $3  }
0xea: {  	_ =	sdelay $0x1  }
0xeb: {  	s25 =	sadd.s32 $0x20000, s25  }
0xec: {  	s23 =	sadd.s32 $0x20000, s23;
	s28 =	sadd.s32 $0x400, s28;
	s24 =	sadd.s32 $0x100000, s24  }
.LBB2_2:
0xed: {  	p3 =	seq.s32 s2, $0x0  }
.Ltmp4:
0xee: {  	_ = 	snop;
	(pc) =	sbr.rel @p3 .LBB2_3-.Ltmp4, $1  }
0xef: {  	_ =	sdelay $0x3  }
0xf0: {  	_ =	swait.ge [sflag:s31], $0x2000  }
0xf1: {  	[sflag:s31] =	ssyncset.done $0x0  }
0xf2: {  	[sflag:s31] =	ssyncadd.s32 $0xFFFFE000  }
0xf3: {  	[spmem:s4] =	stream.indirect.scatter.add.f32 [tilespmem:s19], [sflag:$0xC], $0x40, s17, s29, $0xb8;
	[tilespmem:$0x1BF78] =	vst v63  }
0xf4: {  	s6 =	simm.s32 @!p2 $0x80;
	s15 =	simm.s32 @!p2 $0x1BE78;
	s21 =	simm.s32 @!p2 $0x1BEF8  }
0xf5: {  	[spmem:s5] =	stream.indirect.scatter.add.f32 @!p2 [tilespmem:s21], [sflag:$0xC], $0x1, s15, s6, $0xb8;
	[tilespmem:$0x1BF78] =	vst v63  }
0xf6: {  	s6 =	sadd.s32 $0x1, s2  }
0xf7: {  	p3 =	sge.u32 s6, s12  }
.Ltmp5:
0xf8: {  	_ = 	snop;
	(pc) =	sbr.rel @p3 .LBB2_7-.Ltmp5, $1  }
0xf9: {  	_ =	sdelay $0x3  }
0xfa: {  	_ =	swait.ge [sflag:s20], $0x2000  }
.Ltmp6:
0xfb: {  	[sflag:s20] =	ssyncset.done $0x0;
	(pc) =	sbr.rel .LBB2_6-.Ltmp6, $4  }
0xfc: {  	s15 =	simm.s32 @!p2 $0xA;
	[sflag:s20] =	ssyncadd.s32 $0xFFFFE000  }
0xfd: {  	_ =	swait.ge @!p2 [sflag:s15], $0x80  }
0xfe: {  	[sflag:s15] =	ssyncset.done @!p2 $0x0  }
0xff: {  	[sflag:s15] =	ssyncadd.s32 @!p2 $0xFFFFFF80  }
.LBB2_9:
0x100: {  	_ =	sfence.sel $0x180000  }
0x101: {  	[bflag:$0x0] =	sbarrier.arrive $0xFFFF  }
0x102: {  	_ =	strace $0x90000047  }
0x103: {  	[bflag:$0x2] =	sbarrier.arrive $0xFFFF  }
0x104: {  	s0 =	rddreg [dreg:$0x7]  }
0x105: {  	s0 =	sadd.s32 @!p1 $0x100000, s0  }
0x106: {  	[sflag:s0] =	ssyncadd.tile.s32 @!p1 $0x1;
	_ =	shalt  }
.Lfunc_end2:
_tile_overlayer_lowered:
.L_overlay_start_2:
0x107: {  	(tag) =	ssettag $0x2  }
0x108: {  	s0 =	rddreg [dreg:$0x0];
	s2 =	stileid.u32  }
0x109: {  	s1 =	rddreg [dreg:$0x1];
	p0 =	sne.s32 s2, $0x0  }
0x10a: {  	s3 =	rddreg [dreg:$0x2];
	[bflag:$0x3] =	sbarrier.arrive $0xFFFF;
	s2 =	simm.s32 @!p0 $0x1C0D  }
0x10b: {  	[timem:s3], [sflag:s2] =	dma.local @!p0 [hbm:s0], s1  }
0x10c: {  	s0 =	simm.s32 @!p0 $0xD  }
0x10d: {  	_ =	swait.ge @!p0 [sflag:s0], s1  }
0x10e: {  	s1 =	ssub.s32 @!p0 $0x0, s1;
	[sflag:s0] =	ssyncset.done @!p0 $0x0  }
0x10f: {  	[sflag:s0] =	ssyncadd.s32 @!p0 s1  }
0x110: {  	[bflag:$0x3] =	sbarrier.arrive $0xFFFF  }
0x111: {  	_ =	shalt  }

</sc_bundles>
